<compile_context>
chip_gen: v7x
topology: tpu7x:2x2x1
jax: 0.10.2.dev20260603
libtpu: 0.0.44.dev20260713+nightly
codegen_flags: <defaults>
</compile_context>

<pallas_src>
import functools

import jax
import jax.numpy as jnp
from jax import lax
from jax.experimental import pallas as pl
from jax.experimental.pallas import tpu as pltpu
from jax.experimental.pallas import tpu_sc as plsc

EMB = 32
CHUNK = 128


@functools.lru_cache(maxsize=None)
def _build_gather(batch):
    nc, ns = 2, 16
    nw = nc * ns
    per_w = batch // nw
    n_chunks = per_w // CHUNK
    mesh = plsc.VectorSubcoreMesh(core_axis_name="c", subcore_axis_name="s")

    @functools.partial(
        pl.kernel,
        mesh=mesh,
        compiler_params=pltpu.CompilerParams(
            needs_layout_passes=True, use_tc_tiling_on_sc=False),
        out_type=(
            jax.ShapeDtypeStruct((batch, EMB), jnp.float32),
            jax.ShapeDtypeStruct((batch, EMB), jnp.float32),
            jax.ShapeDtypeStruct((batch,), jnp.float32),
            jax.ShapeDtypeStruct((batch,), jnp.float32),
        ),
        scratch_types=[
            pltpu.VMEM((per_w,), jnp.int32),
            pltpu.VMEM((per_w,), jnp.int32),
            pltpu.VMEM((per_w, EMB), jnp.float32),
            pltpu.VMEM((per_w, EMB), jnp.float32),
            pltpu.VMEM((per_w,), jnp.float32),
            pltpu.VMEM((per_w,), jnp.float32),
            pltpu.SemaphoreType.DMA,
        ],
    )
    def k(uemb, memb, ubias, mbias, uids, mids,
          ue_out, me_out, ub_out, mb_out,
          uid_v, mid_v, ur, mr, ub_v, mb_v, sem):
        wid = lax.axis_index("s") * nc + lax.axis_index("c")
        base = wid * per_w
        pltpu.sync_copy(uids.at[pl.ds(base, per_w)], uid_v)
        pltpu.sync_copy(mids.at[pl.ds(base, per_w)], mid_v)

        copies = []
        for c in range(n_chunks):
            s = pl.ds(c * CHUNK, CHUNK)
            copies.append(pltpu.async_copy(
                uemb.at[uid_v.at[s]], ur.at[s], sem))
            copies.append(pltpu.async_copy(
                memb.at[mid_v.at[s]], mr.at[s], sem))
            copies.append(pltpu.async_copy(
                ubias.at[uid_v.at[s]], ub_v.at[s], sem))
            copies.append(pltpu.async_copy(
                mbias.at[mid_v.at[s]], mb_v.at[s], sem))
        for cp in copies:
            cp.wait()

        pltpu.sync_copy(ur, ue_out.at[pl.ds(base, per_w)])
        pltpu.sync_copy(mr, me_out.at[pl.ds(base, per_w)])
        pltpu.sync_copy(ub_v, ub_out.at[pl.ds(base, per_w)])
        pltpu.sync_copy(mb_v, mb_out.at[pl.ds(base, per_w)])

    return k


def _dot_kernel(ue, me, ub, mb, out):
    out[...] = jnp.sum(ue[...] * me[...], axis=-1) + ub[...] + mb[...]


@functools.lru_cache(maxsize=None)
def _build_dot(batch):
    return pl.pallas_call(
        _dot_kernel,
        out_shape=jax.ShapeDtypeStruct((batch,), jnp.float32),
    )


def kernel(user_ids, movie_ids, user_emb, movie_emb, user_bias, movie_bias):
    batch = user_ids.shape[0]
    ue, me, ub, mb = _build_gather(batch)(
        user_emb, movie_emb,
        user_bias.reshape(-1), movie_bias.reshape(-1),
        user_ids.astype(jnp.int32), movie_ids.astype(jnp.int32))
    return _build_dot(batch)(ue, me, ub, mb)

# --- scband reference (transcript-rebuilt; emitter-appended) ---
"""Pipeline reference for scband-neural-matrix-factorization-6837587936077 (READ-ONLY COPY).

The authoritative reference and input builder live on the scoring server;
editing this copy changes nothing except your own understanding.
"""

import jax, jax.numpy as jnp
import numpy as np

N_USERS = 1000000
N_MOVIES = 100000
EMB = 32
BATCH = 16384

def setup_inputs(seed: int = 0) -> dict:
    key = jax.random.key(seed)
    k1, k2, k3, k4, k5, k6 = jax.random.split(key, 6)
    user_ids = jax.random.randint(k1, (BATCH,), 0, N_USERS, dtype=jnp.int64 if jax.config.jax_enable_x64 else jnp.int32)
    movie_ids = jax.random.randint(k2, (BATCH,), 0, N_MOVIES, dtype=jnp.int64 if jax.config.jax_enable_x64 else jnp.int32)
    user_emb = jax.random.normal(k3, (N_USERS, EMB), dtype=jnp.float32) * 0.05
    movie_emb = jax.random.normal(k4, (N_MOVIES, EMB), dtype=jnp.float32) * 0.05
    user_bias = jax.random.normal(k5, (N_USERS, 1), dtype=jnp.float32) * 0.05
    movie_bias = jax.random.normal(k6, (N_MOVIES, 1), dtype=jnp.float32) * 0.05
    return {"user_ids": user_ids, "movie_ids": movie_ids, "user_emb": user_emb, "movie_emb": movie_emb, "user_bias": user_bias, "movie_bias": movie_bias}

def reference(user_ids, movie_ids, user_emb, movie_emb, user_bias, movie_bias):
    ue = jnp.take(user_emb, user_ids, axis=0)
    me = jnp.take(movie_emb, movie_ids, axis=0)
    ub = jnp.take(user_bias, user_ids, axis=0)
    mb = jnp.take(movie_bias, movie_ids, axis=0)
    dot = jnp.sum(ue * me, axis=1)
    preds = dot + jnp.squeeze(ub, axis=-1) + jnp.squeeze(mb, axis=-1)
    return preds

if __name__ == "__main__":
    import jax
    _d = setup_inputs()
    print(jax.jit(kernel)(*tuple(_d.values())))

</pallas_src>

<mosaic_0001>
#map = affine_map<(d0, d1) -> (0, 0)>
#map1 = affine_map<(d0, d1) -> (0)>
module attributes {stable_mosaic.version = 14 : i64} {
  func.func @k(%arg0: i32, %arg1: i32, %arg2: memref<1000000x32xf32, #tpu.memory_space<hbm>>, %arg3: memref<100000x32xf32, #tpu.memory_space<hbm>>, %arg4: memref<1000000xf32, #tpu.memory_space<hbm>>, %arg5: memref<100000xf32, #tpu.memory_space<hbm>>, %arg6: memref<16384xi32, #tpu.memory_space<hbm>>, %arg7: memref<16384xi32, #tpu.memory_space<hbm>>, %arg8: memref<16384x32xf32, #tpu.memory_space<hbm>>, %arg9: memref<16384x32xf32, #tpu.memory_space<hbm>>, %arg10: memref<16384xf32, #tpu.memory_space<hbm>>, %arg11: memref<16384xf32, #tpu.memory_space<hbm>>, %arg12: memref<512xi32, #tpu.memory_space<vmem>>, %arg13: memref<512xi32, #tpu.memory_space<vmem>>, %arg14: memref<512x32xf32, #tpu.memory_space<vmem>>, %arg15: memref<512x32xf32, #tpu.memory_space<vmem>>, %arg16: memref<512xf32, #tpu.memory_space<vmem>>, %arg17: memref<512xf32, #tpu.memory_space<vmem>>, %arg18: memref<!tpu.dma_semaphore, #tpu.memory_space<semaphore_mem>>) attributes {dimension_semantics = [#tpu.dimension_semantics<core_parallel>, #tpu.dimension_semantics<subcore_parallel>], iteration_bounds = array<i64: 2, 16>, scalar_prefetch = 0 : i64, scratch_operands = 7 : i64, tpu.core_type = #tpu.core_type<sc_vector_subcore>, window_params = [{transform_indices = #map}, {transform_indices = #map}, {transform_indices = #map1}, {transform_indices = #map1}, {transform_indices = #map1}, {transform_indices = #map1}, {transform_indices = #map}, {transform_indices = #map}, {transform_indices = #map1}, {transform_indices = #map1}]} {
    %mul3A = arith.constant 2 : i32
    %mul3A_0 = arith.muli %arg1, %mul3A : i32
    %add3A = arith.addi %mul3A_0, %arg0 : i32
    %mul3A_1 = arith.constant 512 : i32
    %mul3A_2 = arith.muli %add3A, %mul3A_1 : i32
    "tpu.region"() ({
      %run_scoped3A = tpu.sem_alloc : memref<!tpu.dma_semaphore, #tpu.memory_space<semaphore_mem>>
      %dma_start3A_225 = tpu.memref_slice %arg6[%mul3A_2] : memref<16384xi32, #tpu.memory_space<hbm>> -> memref<512xi32, #tpu.memory_space<hbm>>
      %dma_start3A_226 = tpu.memref_slice %arg6[%mul3A_2] : memref<16384xi32, #tpu.memory_space<hbm>> -> memref<512xi32, #tpu.memory_space<hbm>>
      tpu.enqueue_dma source(%dma_start3A_226 : memref<512xi32, #tpu.memory_space<hbm>>) target(%arg12 : memref<512xi32, #tpu.memory_space<vmem>>) target_semaphore(%run_scoped3A : memref<!tpu.dma_semaphore, #tpu.memory_space<semaphore_mem>>)
      %dma_wait3A_227 = tpu.memref_slice %arg6[%mul3A_2] : memref<16384xi32, #tpu.memory_space<hbm>> -> memref<512xi32, #tpu.memory_space<hbm>>
      %dma_wait3A_228 = tpu.memref_slice %arg6[%mul3A_2] : memref<16384xi32, #tpu.memory_space<hbm>> -> memref<512xi32, #tpu.memory_space<hbm>>
      tpu.wait_dma2 semaphore(%run_scoped3A : memref<!tpu.dma_semaphore, #tpu.memory_space<semaphore_mem>>) src(%dma_wait3A_228 : memref<512xi32, #tpu.memory_space<hbm>>) dst(%arg12 : memref<512xi32, #tpu.memory_space<vmem>>)
      tpu.yield
    }) : () -> ()
    "tpu.region"() ({
      %run_scoped3A = tpu.sem_alloc : memref<!tpu.dma_semaphore, #tpu.memory_space<semaphore_mem>>
      %dma_start3A_225 = tpu.memref_slice %arg7[%mul3A_2] : memref<16384xi32, #tpu.memory_space<hbm>> -> memref<512xi32, #tpu.memory_space<hbm>>
      %dma_start3A_226 = tpu.memref_slice %arg7[%mul3A_2] : memref<16384xi32, #tpu.memory_space<hbm>> -> memref<512xi32, #tpu.memory_space<hbm>>
      tpu.enqueue_dma source(%dma_start3A_226 : memref<512xi32, #tpu.memory_space<hbm>>) target(%arg13 : memref<512xi32, #tpu.memory_space<vmem>>) target_semaphore(%run_scoped3A : memref<!tpu.dma_semaphore, #tpu.memory_space<semaphore_mem>>)
      %dma_wait3A_227 = tpu.memref_slice %arg7[%mul3A_2] : memref<16384xi32, #tpu.memory_space<hbm>> -> memref<512xi32, #tpu.memory_space<hbm>>
      %dma_wait3A_228 = tpu.memref_slice %arg7[%mul3A_2] : memref<16384xi32, #tpu.memory_space<hbm>> -> memref<512xi32, #tpu.memory_space<hbm>>
      tpu.wait_dma2 semaphore(%run_scoped3A : memref<!tpu.dma_semaphore, #tpu.memory_space<semaphore_mem>>) src(%dma_wait3A_228 : memref<512xi32, #tpu.memory_space<hbm>>) dst(%arg13 : memref<512xi32, #tpu.memory_space<vmem>>)
      tpu.yield
    }) : () -> ()
    %dma_start3A = arith.constant 0 : i32
    %dma_start3A_3 = arith.constant 0 : i32
    %dma_start3A_4 = tpu.memref_slice %arg14[%dma_start3A, %dma_start3A_3] : memref<512x32xf32, #tpu.memory_space<vmem>> -> memref<128x32xf32, #tpu.memory_space<vmem>>
    %dma_start3A_5 = arith.constant 0 : i32
    %dma_start3A_6 = tpu.memref_slice %arg12[%dma_start3A_5] : memref<512xi32, #tpu.memory_space<vmem>> -> memref<128xi32, #tpu.memory_space<vmem>>
    %dma_start3A_7 = arith.constant 0 : i32
    %dma_start3A_8 = arith.constant 0 : i32
    %dma_start3A_9 = tpu.memref_slice %arg2[%dma_start3A_7, %dma_start3A_8] : memref<1000000x32xf32, #tpu.memory_space<hbm>> -> memref<1000000x32xf32, #tpu.memory_space<hbm>>
    tpu.enqueue_indirect_dma source(%dma_start3A_9 : memref<1000000x32xf32, #tpu.memory_space<hbm>>) target(%dma_start3A_4 : memref<128x32xf32, #tpu.memory_space<vmem>>) offsets(%dma_start3A_6 : memref<128xi32, #tpu.memory_space<vmem>>) semaphore(%arg18 : memref<!tpu.dma_semaphore, #tpu.memory_space<semaphore_mem>>)
    %dma_start3A_10 = arith.constant 0 : i32
    %dma_start3A_11 = arith.constant 0 : i32
    %dma_start3A_12 = tpu.memref_slice %arg15[%dma_start3A_10, %dma_start3A_11] : memref<512x32xf32, #tpu.memory_space<vmem>> -> memref<128x32xf32, #tpu.memory_space<vmem>>
    %dma_start3A_13 = arith.constant 0 : i32
    %dma_start3A_14 = tpu.memref_slice %arg13[%dma_start3A_13] : memref<512xi32, #tpu.memory_space<vmem>> -> memref<128xi32, #tpu.memory_space<vmem>>
    %dma_start3A_15 = arith.constant 0 : i32
    %dma_start3A_16 = arith.constant 0 : i32
    %dma_start3A_17 = tpu.memref_slice %arg3[%dma_start3A_15, %dma_start3A_16] : memref<100000x32xf32, #tpu.memory_space<hbm>> -> memref<100000x32xf32, #tpu.memory_space<hbm>>
    tpu.enqueue_indirect_dma source(%dma_start3A_17 : memref<100000x32xf32, #tpu.memory_space<hbm>>) target(%dma_start3A_12 : memref<128x32xf32, #tpu.memory_space<vmem>>) offsets(%dma_start3A_14 : memref<128xi32, #tpu.memory_space<vmem>>) semaphore(%arg18 : memref<!tpu.dma_semaphore, #tpu.memory_space<semaphore_mem>>)
    %dma_start3A_18 = arith.constant 0 : i32
    %dma_start3A_19 = tpu.memref_slice %arg16[%dma_start3A_18] : memref<512xf32, #tpu.memory_space<vmem>> -> memref<128xf32, #tpu.memory_space<vmem>>
    %dma_start3A_20 = arith.constant 0 : i32
    %dma_start3A_21 = tpu.memref_slice %arg12[%dma_start3A_20] : memref<512xi32, #tpu.memory_space<vmem>> -> memref<128xi32, #tpu.memory_space<vmem>>
    %dma_start3A_22 = arith.constant 0 : i32
    %dma_start3A_23 = tpu.memref_slice %arg4[%dma_start3A_22] : memref<1000000xf32, #tpu.memory_space<hbm>> -> memref<1000000xf32, #tpu.memory_space<hbm>>
    tpu.enqueue_indirect_dma source(%dma_start3A_23 : memref<1000000xf32, #tpu.memory_space<hbm>>) target(%dma_start3A_19 : memref<128xf32, #tpu.memory_space<vmem>>) offsets(%dma_start3A_21 : memref<128xi32, #tpu.memory_space<vmem>>) semaphore(%arg18 : memref<!tpu.dma_semaphore, #tpu.memory_space<semaphore_mem>>)
    %dma_start3A_24 = arith.constant 0 : i32
    %dma_start3A_25 = tpu.memref_slice %arg17[%dma_start3A_24] : memref<512xf32, #tpu.memory_space<vmem>> -> memref<128xf32, #tpu.memory_space<vmem>>
    %dma_start3A_26 = arith.constant 0 : i32
    %dma_start3A_27 = tpu.memref_slice %arg13[%dma_start3A_26] : memref<512xi32, #tpu.memory_space<vmem>> -> memref<128xi32, #tpu.memory_space<vmem>>
    %dma_start3A_28 = arith.constant 0 : i32
    %dma_start3A_29 = tpu.memref_slice %arg5[%dma_start3A_28] : memref<100000xf32, #tpu.memory_space<hbm>> -> memref<100000xf32, #tpu.memory_space<hbm>>
    tpu.enqueue_indirect_dma source(%dma_start3A_29 : memref<100000xf32, #tpu.memory_space<hbm>>) target(%dma_start3A_25 : memref<128xf32, #tpu.memory_space<vmem>>) offsets(%dma_start3A_27 : memref<128xi32, #tpu.memory_space<vmem>>) semaphore(%arg18 : memref<!tpu.dma_semaphore, #tpu.memory_space<semaphore_mem>>)
    %dma_start3A_30 = arith.constant 128 : i32
    %dma_start3A_31 = arith.constant 0 : i32
    %dma_start3A_32 = tpu.memref_slice %arg14[%dma_start3A_30, %dma_start3A_31] : memref<512x32xf32, #tpu.memory_space<vmem>> -> memref<128x32xf32, #tpu.memory_space<vmem>>
    %dma_start3A_33 = arith.constant 128 : i32
    %dma_start3A_34 = tpu.memref_slice %arg12[%dma_start3A_33] : memref<512xi32, #tpu.memory_space<vmem>> -> memref<128xi32, #tpu.memory_space<vmem>>
    %dma_start3A_35 = arith.constant 0 : i32
    %dma_start3A_36 = arith.constant 0 : i32
    %dma_start3A_37 = tpu.memref_slice %arg2[%dma_start3A_35, %dma_start3A_36] : memref<1000000x32xf32, #tpu.memory_space<hbm>> -> memref<1000000x32xf32, #tpu.memory_space<hbm>>
    tpu.enqueue_indirect_dma source(%dma_start3A_37 : memref<1000000x32xf32, #tpu.memory_space<hbm>>) target(%dma_start3A_32 : memref<128x32xf32, #tpu.memory_space<vmem>>) offsets(%dma_start3A_34 : memref<128xi32, #tpu.memory_space<vmem>>) semaphore(%arg18 : memref<!tpu.dma_semaphore, #tpu.memory_space<semaphore_mem>>)
    %dma_start3A_38 = arith.constant 128 : i32
    %dma_start3A_39 = arith.constant 0 : i32
    %dma_start3A_40 = tpu.memref_slice %arg15[%dma_start3A_38, %dma_start3A_39] : memref<512x32xf32, #tpu.memory_space<vmem>> -> memref<128x32xf32, #tpu.memory_space<vmem>>
    %dma_start3A_41 = arith.constant 128 : i32
    %dma_start3A_42 = tpu.memref_slice %arg13[%dma_start3A_41] : memref<512xi32, #tpu.memory_space<vmem>> -> memref<128xi32, #tpu.memory_space<vmem>>
    %dma_start3A_43 = arith.constant 0 : i32
    %dma_start3A_44 = arith.constant 0 : i32
    %dma_start3A_45 = tpu.memref_slice %arg3[%dma_start3A_43, %dma_start3A_44] : memref<100000x32xf32, #tpu.memory_space<hbm>> -> memref<100000x32xf32, #tpu.memory_space<hbm>>
    tpu.enqueue_indirect_dma source(%dma_start3A_45 : memref<100000x32xf32, #tpu.memory_space<hbm>>) target(%dma_start3A_40 : memref<128x32xf32, #tpu.memory_space<vmem>>) offsets(%dma_start3A_42 : memref<128xi32, #tpu.memory_space<vmem>>) semaphore(%arg18 : memref<!tpu.dma_semaphore, #tpu.memory_space<semaphore_mem>>)
    %dma_start3A_46 = arith.constant 128 : i32
    %dma_start3A_47 = tpu.memref_slice %arg16[%dma_start3A_46] : memref<512xf32, #tpu.memory_space<vmem>> -> memref<128xf32, #tpu.memory_space<vmem>>
    %dma_start3A_48 = arith.constant 128 : i32
    %dma_start3A_49 = tpu.memref_slice %arg12[%dma_start3A_48] : memref<512xi32, #tpu.memory_space<vmem>> -> memref<128xi32, #tpu.memory_space<vmem>>
    %dma_start3A_50 = arith.constant 0 : i32
    %dma_start3A_51 = tpu.memref_slice %arg4[%dma_start3A_50] : memref<1000000xf32, #tpu.memory_space<hbm>> -> memref<1000000xf32, #tpu.memory_space<hbm>>
    tpu.enqueue_indirect_dma source(%dma_start3A_51 : memref<1000000xf32, #tpu.memory_space<hbm>>) target(%dma_start3A_47 : memref<128xf32, #tpu.memory_space<vmem>>) offsets(%dma_start3A_49 : memref<128xi32, #tpu.memory_space<vmem>>) semaphore(%arg18 : memref<!tpu.dma_semaphore, #tpu.memory_space<semaphore_mem>>)
    %dma_start3A_52 = arith.constant 128 : i32
    %dma_start3A_53 = tpu.memref_slice %arg17[%dma_start3A_52] : memref<512xf32, #tpu.memory_space<vmem>> -> memref<128xf32, #tpu.memory_space<vmem>>
    %dma_start3A_54 = arith.constant 128 : i32
    %dma_start3A_55 = tpu.memref_slice %arg13[%dma_start3A_54] : memref<512xi32, #tpu.memory_space<vmem>> -> memref<128xi32, #tpu.memory_space<vmem>>
    %dma_start3A_56 = arith.constant 0 : i32
    %dma_start3A_57 = tpu.memref_slice %arg5[%dma_start3A_56] : memref<100000xf32, #tpu.memory_space<hbm>> -> memref<100000xf32, #tpu.memory_space<hbm>>
    tpu.enqueue_indirect_dma source(%dma_start3A_57 : memref<100000xf32, #tpu.memory_space<hbm>>) target(%dma_start3A_53 : memref<128xf32, #tpu.memory_space<vmem>>) offsets(%dma_start3A_55 : memref<128xi32, #tpu.memory_space<vmem>>) semaphore(%arg18 : memref<!tpu.dma_semaphore, #tpu.memory_space<semaphore_mem>>)
    %dma_start3A_58 = arith.constant 256 : i32
    %dma_start3A_59 = arith.constant 0 : i32
    %dma_start3A_60 = tpu.memref_slice %arg14[%dma_start3A_58, %dma_start3A_59] : memref<512x32xf32, #tpu.memory_space<vmem>> -> memref<128x32xf32, #tpu.memory_space<vmem>>
    %dma_start3A_61 = arith.constant 256 : i32
    %dma_start3A_62 = tpu.memref_slice %arg12[%dma_start3A_61] : memref<512xi32, #tpu.memory_space<vmem>> -> memref<128xi32, #tpu.memory_space<vmem>>
    %dma_start3A_63 = arith.constant 0 : i32
    %dma_start3A_64 = arith.constant 0 : i32
    %dma_start3A_65 = tpu.memref_slice %arg2[%dma_start3A_63, %dma_start3A_64] : memref<1000000x32xf32, #tpu.memory_space<hbm>> -> memref<1000000x32xf32, #tpu.memory_space<hbm>>
    tpu.enqueue_indirect_dma source(%dma_start3A_65 : memref<1000000x32xf32, #tpu.memory_space<hbm>>) target(%dma_start3A_60 : memref<128x32xf32, #tpu.memory_space<vmem>>) offsets(%dma_start3A_62 : memref<128xi32, #tpu.memory_space<vmem>>) semaphore(%arg18 : memref<!tpu.dma_semaphore, #tpu.memory_space<semaphore_mem>>)
    %dma_start3A_66 = arith.constant 256 : i32
    %dma_start3A_67 = arith.constant 0 : i32
    %dma_start3A_68 = tpu.memref_slice %arg15[%dma_start3A_66, %dma_start3A_67] : memref<512x32xf32, #tpu.memory_space<vmem>> -> memref<128x32xf32, #tpu.memory_space<vmem>>
    %dma_start3A_69 = arith.constant 256 : i32
    %dma_start3A_70 = tpu.memref_slice %arg13[%dma_start3A_69] : memref<512xi32, #tpu.memory_space<vmem>> -> memref<128xi32, #tpu.memory_space<vmem>>
    %dma_start3A_71 = arith.constant 0 : i32
    %dma_start3A_72 = arith.constant 0 : i32
    %dma_start3A_73 = tpu.memref_slice %arg3[%dma_start3A_71, %dma_start3A_72] : memref<100000x32xf32, #tpu.memory_space<hbm>> -> memref<100000x32xf32, #tpu.memory_space<hbm>>
    tpu.enqueue_indirect_dma source(%dma_start3A_73 : memref<100000x32xf32, #tpu.memory_space<hbm>>) target(%dma_start3A_68 : memref<128x32xf32, #tpu.memory_space<vmem>>) offsets(%dma_start3A_70 : memref<128xi32, #tpu.memory_space<vmem>>) semaphore(%arg18 : memref<!tpu.dma_semaphore, #tpu.memory_space<semaphore_mem>>)
    %dma_start3A_74 = arith.constant 256 : i32
    %dma_start3A_75 = tpu.memref_slice %arg16[%dma_start3A_74] : memref<512xf32, #tpu.memory_space<vmem>> -> memref<128xf32, #tpu.memory_space<vmem>>
    %dma_start3A_76 = arith.constant 256 : i32
    %dma_start3A_77 = tpu.memref_slice %arg12[%dma_start3A_76] : memref<512xi32, #tpu.memory_space<vmem>> -> memref<128xi32, #tpu.memory_space<vmem>>
    %dma_start3A_78 = arith.constant 0 : i32
    %dma_start3A_79 = tpu.memref_slice %arg4[%dma_start3A_78] : memref<1000000xf32, #tpu.memory_space<hbm>> -> memref<1000000xf32, #tpu.memory_space<hbm>>
    tpu.enqueue_indirect_dma source(%dma_start3A_79 : memref<1000000xf32, #tpu.memory_space<hbm>>) target(%dma_start3A_75 : memref<128xf32, #tpu.memory_space<vmem>>) offsets(%dma_start3A_77 : memref<128xi32, #tpu.memory_space<vmem>>) semaphore(%arg18 : memref<!tpu.dma_semaphore, #tpu.memory_space<semaphore_mem>>)
    %dma_start3A_80 = arith.constant 256 : i32
    %dma_start3A_81 = tpu.memref_slice %arg17[%dma_start3A_80] : memref<512xf32, #tpu.memory_space<vmem>> -> memref<128xf32, #tpu.memory_space<vmem>>
    %dma_start3A_82 = arith.constant 256 : i32
    %dma_start3A_83 = tpu.memref_slice %arg13[%dma_start3A_82] : memref<512xi32, #tpu.memory_space<vmem>> -> memref<128xi32, #tpu.memory_space<vmem>>
    %dma_start3A_84 = arith.constant 0 : i32
    %dma_start3A_85 = tpu.memref_slice %arg5[%dma_start3A_84] : memref<100000xf32, #tpu.memory_space<hbm>> -> memref<100000xf32, #tpu.memory_space<hbm>>
    tpu.enqueue_indirect_dma source(%dma_start3A_85 : memref<100000xf32, #tpu.memory_space<hbm>>) target(%dma_start3A_81 : memref<128xf32, #tpu.memory_space<vmem>>) offsets(%dma_start3A_83 : memref<128xi32, #tpu.memory_space<vmem>>) semaphore(%arg18 : memref<!tpu.dma_semaphore, #tpu.memory_space<semaphore_mem>>)
    %dma_start3A_86 = arith.constant 384 : i32
    %dma_start3A_87 = arith.constant 0 : i32
    %dma_start3A_88 = tpu.memref_slice %arg14[%dma_start3A_86, %dma_start3A_87] : memref<512x32xf32, #tpu.memory_space<vmem>> -> memref<128x32xf32, #tpu.memory_space<vmem>>
    %dma_start3A_89 = arith.constant 384 : i32
    %dma_start3A_90 = tpu.memref_slice %arg12[%dma_start3A_89] : memref<512xi32, #tpu.memory_space<vmem>> -> memref<128xi32, #tpu.memory_space<vmem>>
    %dma_start3A_91 = arith.constant 0 : i32
    %dma_start3A_92 = arith.constant 0 : i32
    %dma_start3A_93 = tpu.memref_slice %arg2[%dma_start3A_91, %dma_start3A_92] : memref<1000000x32xf32, #tpu.memory_space<hbm>> -> memref<1000000x32xf32, #tpu.memory_space<hbm>>
    tpu.enqueue_indirect_dma source(%dma_start3A_93 : memref<1000000x32xf32, #tpu.memory_space<hbm>>) target(%dma_start3A_88 : memref<128x32xf32, #tpu.memory_space<vmem>>) offsets(%dma_start3A_90 : memref<128xi32, #tpu.memory_space<vmem>>) semaphore(%arg18 : memref<!tpu.dma_semaphore, #tpu.memory_space<semaphore_mem>>)
    %dma_start3A_94 = arith.constant 384 : i32
    %dma_start3A_95 = arith.constant 0 : i32
    %dma_start3A_96 = tpu.memref_slice %arg15[%dma_start3A_94, %dma_start3A_95] : memref<512x32xf32, #tpu.memory_space<vmem>> -> memref<128x32xf32, #tpu.memory_space<vmem>>
    %dma_start3A_97 = arith.constant 384 : i32
    %dma_start3A_98 = tpu.memref_slice %arg13[%dma_start3A_97] : memref<512xi32, #tpu.memory_space<vmem>> -> memref<128xi32, #tpu.memory_space<vmem>>
    %dma_start3A_99 = arith.constant 0 : i32
    %dma_start3A_100 = arith.constant 0 : i32
    %dma_start3A_101 = tpu.memref_slice %arg3[%dma_start3A_99, %dma_start3A_100] : memref<100000x32xf32, #tpu.memory_space<hbm>> -> memref<100000x32xf32, #tpu.memory_space<hbm>>
    tpu.enqueue_indirect_dma source(%dma_start3A_101 : memref<100000x32xf32, #tpu.memory_space<hbm>>) target(%dma_start3A_96 : memref<128x32xf32, #tpu.memory_space<vmem>>) offsets(%dma_start3A_98 : memref<128xi32, #tpu.memory_space<vmem>>) semaphore(%arg18 : memref<!tpu.dma_semaphore, #tpu.memory_space<semaphore_mem>>)
    %dma_start3A_102 = arith.constant 384 : i32
    %dma_start3A_103 = tpu.memref_slice %arg16[%dma_start3A_102] : memref<512xf32, #tpu.memory_space<vmem>> -> memref<128xf32, #tpu.memory_space<vmem>>
    %dma_start3A_104 = arith.constant 384 : i32
    %dma_start3A_105 = tpu.memref_slice %arg12[%dma_start3A_104] : memref<512xi32, #tpu.memory_space<vmem>> -> memref<128xi32, #tpu.memory_space<vmem>>
    %dma_start3A_106 = arith.constant 0 : i32
    %dma_start3A_107 = tpu.memref_slice %arg4[%dma_start3A_106] : memref<1000000xf32, #tpu.memory_space<hbm>> -> memref<1000000xf32, #tpu.memory_space<hbm>>
    tpu.enqueue_indirect_dma source(%dma_start3A_107 : memref<1000000xf32, #tpu.memory_space<hbm>>) target(%dma_start3A_103 : memref<128xf32, #tpu.memory_space<vmem>>) offsets(%dma_start3A_105 : memref<128xi32, #tpu.memory_space<vmem>>) semaphore(%arg18 : memref<!tpu.dma_semaphore, #tpu.memory_space<semaphore_mem>>)
    %dma_start3A_108 = arith.constant 384 : i32
    %dma_start3A_109 = tpu.memref_slice %arg17[%dma_start3A_108] : memref<512xf32, #tpu.memory_space<vmem>> -> memref<128xf32, #tpu.memory_space<vmem>>
    %dma_start3A_110 = arith.constant 384 : i32
    %dma_start3A_111 = tpu.memref_slice %arg13[%dma_start3A_110] : memref<512xi32, #tpu.memory_space<vmem>> -> memref<128xi32, #tpu.memory_space<vmem>>
    %dma_start3A_112 = arith.constant 0 : i32
    %dma_start3A_113 = tpu.memref_slice %arg5[%dma_start3A_112] : memref<100000xf32, #tpu.memory_space<hbm>> -> memref<100000xf32, #tpu.memory_space<hbm>>
    tpu.enqueue_indirect_dma source(%dma_start3A_113 : memref<100000xf32, #tpu.memory_space<hbm>>) target(%dma_start3A_109 : memref<128xf32, #tpu.memory_space<vmem>>) offsets(%dma_start3A_111 : memref<128xi32, #tpu.memory_space<vmem>>) semaphore(%arg18 : memref<!tpu.dma_semaphore, #tpu.memory_space<semaphore_mem>>)
    %dma_wait3A = arith.constant 0 : i32
    %dma_wait3A_114 = arith.constant 0 : i32
    %dma_wait3A_115 = tpu.memref_slice %arg14[%dma_wait3A, %dma_wait3A_114] : memref<512x32xf32, #tpu.memory_space<vmem>> -> memref<128x32xf32, #tpu.memory_space<vmem>>
    %dma_wait3A_116 = arith.constant 0 : i32
    %dma_wait3A_117 = tpu.memref_slice %arg12[%dma_wait3A_116] : memref<512xi32, #tpu.memory_space<vmem>> -> memref<128xi32, #tpu.memory_space<vmem>>
    %dma_wait3A_118 = arith.constant 0 : i32
    %dma_wait3A_119 = arith.constant 0 : i32
    %dma_wait3A_120 = tpu.memref_slice %arg2[%dma_wait3A_118, %dma_wait3A_119] : memref<1000000x32xf32, #tpu.memory_space<hbm>> -> memref<1000000x32xf32, #tpu.memory_space<hbm>>
    tpu.wait_indirect_dma semaphore(%arg18 : memref<!tpu.dma_semaphore, #tpu.memory_space<semaphore_mem>>) src(%dma_wait3A_120 : memref<1000000x32xf32, #tpu.memory_space<hbm>>) dst(%dma_wait3A_115 : memref<128x32xf32, #tpu.memory_space<vmem>>)
    %dma_wait3A_121 = arith.constant 0 : i32
    %dma_wait3A_122 = arith.constant 0 : i32
    %dma_wait3A_123 = tpu.memref_slice %arg15[%dma_wait3A_121, %dma_wait3A_122] : memref<512x32xf32, #tpu.memory_space<vmem>> -> memref<128x32xf32, #tpu.memory_space<vmem>>
    %dma_wait3A_124 = arith.constant 0 : i32
    %dma_wait3A_125 = tpu.memref_slice %arg13[%dma_wait3A_124] : memref<512xi32, #tpu.memory_space<vmem>> -> memref<128xi32, #tpu.memory_space<vmem>>
    %dma_wait3A_126 = arith.constant 0 : i32
    %dma_wait3A_127 = arith.constant 0 : i32
    %dma_wait3A_128 = tpu.memref_slice %arg3[%dma_wait3A_126, %dma_wait3A_127] : memref<100000x32xf32, #tpu.memory_space<hbm>> -> memref<100000x32xf32, #tpu.memory_space<hbm>>
    tpu.wait_indirect_dma semaphore(%arg18 : memref<!tpu.dma_semaphore, #tpu.memory_space<semaphore_mem>>) src(%dma_wait3A_128 : memref<100000x32xf32, #tpu.memory_space<hbm>>) dst(%dma_wait3A_123 : memref<128x32xf32, #tpu.memory_space<vmem>>)
    %dma_wait3A_129 = arith.constant 0 : i32
    %dma_wait3A_130 = tpu.memref_slice %arg16[%dma_wait3A_129] : memref<512xf32, #tpu.memory_space<vmem>> -> memref<128xf32, #tpu.memory_space<vmem>>
    %dma_wait3A_131 = arith.constant 0 : i32
    %dma_wait3A_132 = tpu.memref_slice %arg12[%dma_wait3A_131] : memref<512xi32, #tpu.memory_space<vmem>> -> memref<128xi32, #tpu.memory_space<vmem>>
    %dma_wait3A_133 = arith.constant 0 : i32
    %dma_wait3A_134 = tpu.memref_slice %arg4[%dma_wait3A_133] : memref<1000000xf32, #tpu.memory_space<hbm>> -> memref<1000000xf32, #tpu.memory_space<hbm>>
    tpu.wait_indirect_dma semaphore(%arg18 : memref<!tpu.dma_semaphore, #tpu.memory_space<semaphore_mem>>) src(%dma_wait3A_134 : memref<1000000xf32, #tpu.memory_space<hbm>>) dst(%dma_wait3A_130 : memref<128xf32, #tpu.memory_space<vmem>>)
    %dma_wait3A_135 = arith.constant 0 : i32
    %dma_wait3A_136 = tpu.memref_slice %arg17[%dma_wait3A_135] : memref<512xf32, #tpu.memory_space<vmem>> -> memref<128xf32, #tpu.memory_space<vmem>>
    %dma_wait3A_137 = arith.constant 0 : i32
    %dma_wait3A_138 = tpu.memref_slice %arg13[%dma_wait3A_137] : memref<512xi32, #tpu.memory_space<vmem>> -> memref<128xi32, #tpu.memory_space<vmem>>
    %dma_wait3A_139 = arith.constant 0 : i32
    %dma_wait3A_140 = tpu.memref_slice %arg5[%dma_wait3A_139] : memref<100000xf32, #tpu.memory_space<hbm>> -> memref<100000xf32, #tpu.memory_space<hbm>>
    tpu.wait_indirect_dma semaphore(%arg18 : memref<!tpu.dma_semaphore, #tpu.memory_space<semaphore_mem>>) src(%dma_wait3A_140 : memref<100000xf32, #tpu.memory_space<hbm>>) dst(%dma_wait3A_136 : memref<128xf32, #tpu.memory_space<vmem>>)
    %dma_wait3A_141 = arith.constant 128 : i32
    %dma_wait3A_142 = arith.constant 0 : i32
    %dma_wait3A_143 = tpu.memref_slice %arg14[%dma_wait3A_141, %dma_wait3A_142] : memref<512x32xf32, #tpu.memory_space<vmem>> -> memref<128x32xf32, #tpu.memory_space<vmem>>
    %dma_wait3A_144 = arith.constant 128 : i32
    %dma_wait3A_145 = tpu.memref_slice %arg12[%dma_wait3A_144] : memref<512xi32, #tpu.memory_space<vmem>> -> memref<128xi32, #tpu.memory_space<vmem>>
    %dma_wait3A_146 = arith.constant 0 : i32
    %dma_wait3A_147 = arith.constant 0 : i32
    %dma_wait3A_148 = tpu.memref_slice %arg2[%dma_wait3A_146, %dma_wait3A_147] : memref<1000000x32xf32, #tpu.memory_space<hbm>> -> memref<1000000x32xf32, #tpu.memory_space<hbm>>
    tpu.wait_indirect_dma semaphore(%arg18 : memref<!tpu.dma_semaphore, #tpu.memory_space<semaphore_mem>>) src(%dma_wait3A_148 : memref<1000000x32xf32, #tpu.memory_space<hbm>>) dst(%dma_wait3A_143 : memref<128x32xf32, #tpu.memory_space<vmem>>)
    %dma_wait3A_149 = arith.constant 128 : i32
    %dma_wait3A_150 = arith.constant 0 : i32
    %dma_wait3A_151 = tpu.memref_slice %arg15[%dma_wait3A_149, %dma_wait3A_150] : memref<512x32xf32, #tpu.memory_space<vmem>> -> memref<128x32xf32, #tpu.memory_space<vmem>>
    %dma_wait3A_152 = arith.constant 128 : i32
    %dma_wait3A_153 = tpu.memref_slice %arg13[%dma_wait3A_152] : memref<512xi32, #tpu.memory_space<vmem>> -> memref<128xi32, #tpu.memory_space<vmem>>
    %dma_wait3A_154 = arith.constant 0 : i32
    %dma_wait3A_155 = arith.constant 0 : i32
    %dma_wait3A_156 = tpu.memref_slice %arg3[%dma_wait3A_154, %dma_wait3A_155] : memref<100000x32xf32, #tpu.memory_space<hbm>> -> memref<100000x32xf32, #tpu.memory_space<hbm>>
    tpu.wait_indirect_dma semaphore(%arg18 : memref<!tpu.dma_semaphore, #tpu.memory_space<semaphore_mem>>) src(%dma_wait3A_156 : memref<100000x32xf32, #tpu.memory_space<hbm>>) dst(%dma_wait3A_151 : memref<128x32xf32, #tpu.memory_space<vmem>>)
    %dma_wait3A_157 = arith.constant 128 : i32
    %dma_wait3A_158 = tpu.memref_slice %arg16[%dma_wait3A_157] : memref<512xf32, #tpu.memory_space<vmem>> -> memref<128xf32, #tpu.memory_space<vmem>>
    %dma_wait3A_159 = arith.constant 128 : i32
    %dma_wait3A_160 = tpu.memref_slice %arg12[%dma_wait3A_159] : memref<512xi32, #tpu.memory_space<vmem>> -> memref<128xi32, #tpu.memory_space<vmem>>
    %dma_wait3A_161 = arith.constant 0 : i32
    %dma_wait3A_162 = tpu.memref_slice %arg4[%dma_wait3A_161] : memref<1000000xf32, #tpu.memory_space<hbm>> -> memref<1000000xf32, #tpu.memory_space<hbm>>
    tpu.wait_indirect_dma semaphore(%arg18 : memref<!tpu.dma_semaphore, #tpu.memory_space<semaphore_mem>>) src(%dma_wait3A_162 : memref<1000000xf32, #tpu.memory_space<hbm>>) dst(%dma_wait3A_158 : memref<128xf32, #tpu.memory_space<vmem>>)
    %dma_wait3A_163 = arith.constant 128 : i32
    %dma_wait3A_164 = tpu.memref_slice %arg17[%dma_wait3A_163] : memref<512xf32, #tpu.memory_space<vmem>> -> memref<128xf32, #tpu.memory_space<vmem>>
    %dma_wait3A_165 = arith.constant 128 : i32
    %dma_wait3A_166 = tpu.memref_slice %arg13[%dma_wait3A_165] : memref<512xi32, #tpu.memory_space<vmem>> -> memref<128xi32, #tpu.memory_space<vmem>>
    %dma_wait3A_167 = arith.constant 0 : i32
    %dma_wait3A_168 = tpu.memref_slice %arg5[%dma_wait3A_167] : memref<100000xf32, #tpu.memory_space<hbm>> -> memref<100000xf32, #tpu.memory_space<hbm>>
    tpu.wait_indirect_dma semaphore(%arg18 : memref<!tpu.dma_semaphore, #tpu.memory_space<semaphore_mem>>) src(%dma_wait3A_168 : memref<100000xf32, #tpu.memory_space<hbm>>) dst(%dma_wait3A_164 : memref<128xf32, #tpu.memory_space<vmem>>)
    %dma_wait3A_169 = arith.constant 256 : i32
    %dma_wait3A_170 = arith.constant 0 : i32
    %dma_wait3A_171 = tpu.memref_slice %arg14[%dma_wait3A_169, %dma_wait3A_170] : memref<512x32xf32, #tpu.memory_space<vmem>> -> memref<128x32xf32, #tpu.memory_space<vmem>>
    %dma_wait3A_172 = arith.constant 256 : i32
    %dma_wait3A_173 = tpu.memref_slice %arg12[%dma_wait3A_172] : memref<512xi32, #tpu.memory_space<vmem>> -> memref<128xi32, #tpu.memory_space<vmem>>
    %dma_wait3A_174 = arith.constant 0 : i32
    %dma_wait3A_175 = arith.constant 0 : i32
    %dma_wait3A_176 = tpu.memref_slice %arg2[%dma_wait3A_174, %dma_wait3A_175] : memref<1000000x32xf32, #tpu.memory_space<hbm>> -> memref<1000000x32xf32, #tpu.memory_space<hbm>>
    tpu.wait_indirect_dma semaphore(%arg18 : memref<!tpu.dma_semaphore, #tpu.memory_space<semaphore_mem>>) src(%dma_wait3A_176 : memref<1000000x32xf32, #tpu.memory_space<hbm>>) dst(%dma_wait3A_171 : memref<128x32xf32, #tpu.memory_space<vmem>>)
    %dma_wait3A_177 = arith.constant 256 : i32
    %dma_wait3A_178 = arith.constant 0 : i32
    %dma_wait3A_179 = tpu.memref_slice %arg15[%dma_wait3A_177, %dma_wait3A_178] : memref<512x32xf32, #tpu.memory_space<vmem>> -> memref<128x32xf32, #tpu.memory_space<vmem>>
    %dma_wait3A_180 = arith.constant 256 : i32
    %dma_wait3A_181 = tpu.memref_slice %arg13[%dma_wait3A_180] : memref<512xi32, #tpu.memory_space<vmem>> -> memref<128xi32, #tpu.memory_space<vmem>>
    %dma_wait3A_182 = arith.constant 0 : i32
    %dma_wait3A_183 = arith.constant 0 : i32
    %dma_wait3A_184 = tpu.memref_slice %arg3[%dma_wait3A_182, %dma_wait3A_183] : memref<100000x32xf32, #tpu.memory_space<hbm>> -> memref<100000x32xf32, #tpu.memory_space<hbm>>
    tpu.wait_indirect_dma semaphore(%arg18 : memref<!tpu.dma_semaphore, #tpu.memory_space<semaphore_mem>>) src(%dma_wait3A_184 : memref<100000x32xf32, #tpu.memory_space<hbm>>) dst(%dma_wait3A_179 : memref<128x32xf32, #tpu.memory_space<vmem>>)
    %dma_wait3A_185 = arith.constant 256 : i32
    %dma_wait3A_186 = tpu.memref_slice %arg16[%dma_wait3A_185] : memref<512xf32, #tpu.memory_space<vmem>> -> memref<128xf32, #tpu.memory_space<vmem>>
    %dma_wait3A_187 = arith.constant 256 : i32
    %dma_wait3A_188 = tpu.memref_slice %arg12[%dma_wait3A_187] : memref<512xi32, #tpu.memory_space<vmem>> -> memref<128xi32, #tpu.memory_space<vmem>>
    %dma_wait3A_189 = arith.constant 0 : i32
    %dma_wait3A_190 = tpu.memref_slice %arg4[%dma_wait3A_189] : memref<1000000xf32, #tpu.memory_space<hbm>> -> memref<1000000xf32, #tpu.memory_space<hbm>>
    tpu.wait_indirect_dma semaphore(%arg18 : memref<!tpu.dma_semaphore, #tpu.memory_space<semaphore_mem>>) src(%dma_wait3A_190 : memref<1000000xf32, #tpu.memory_space<hbm>>) dst(%dma_wait3A_186 : memref<128xf32, #tpu.memory_space<vmem>>)
    %dma_wait3A_191 = arith.constant 256 : i32
    %dma_wait3A_192 = tpu.memref_slice %arg17[%dma_wait3A_191] : memref<512xf32, #tpu.memory_space<vmem>> -> memref<128xf32, #tpu.memory_space<vmem>>
    %dma_wait3A_193 = arith.constant 256 : i32
    %dma_wait3A_194 = tpu.memref_slice %arg13[%dma_wait3A_193] : memref<512xi32, #tpu.memory_space<vmem>> -> memref<128xi32, #tpu.memory_space<vmem>>
    %dma_wait3A_195 = arith.constant 0 : i32
    %dma_wait3A_196 = tpu.memref_slice %arg5[%dma_wait3A_195] : memref<100000xf32, #tpu.memory_space<hbm>> -> memref<100000xf32, #tpu.memory_space<hbm>>
    tpu.wait_indirect_dma semaphore(%arg18 : memref<!tpu.dma_semaphore, #tpu.memory_space<semaphore_mem>>) src(%dma_wait3A_196 : memref<100000xf32, #tpu.memory_space<hbm>>) dst(%dma_wait3A_192 : memref<128xf32, #tpu.memory_space<vmem>>)
    %dma_wait3A_197 = arith.constant 384 : i32
    %dma_wait3A_198 = arith.constant 0 : i32
    %dma_wait3A_199 = tpu.memref_slice %arg14[%dma_wait3A_197, %dma_wait3A_198] : memref<512x32xf32, #tpu.memory_space<vmem>> -> memref<128x32xf32, #tpu.memory_space<vmem>>
    %dma_wait3A_200 = arith.constant 384 : i32
    %dma_wait3A_201 = tpu.memref_slice %arg12[%dma_wait3A_200] : memref<512xi32, #tpu.memory_space<vmem>> -> memref<128xi32, #tpu.memory_space<vmem>>
    %dma_wait3A_202 = arith.constant 0 : i32
    %dma_wait3A_203 = arith.constant 0 : i32
    %dma_wait3A_204 = tpu.memref_slice %arg2[%dma_wait3A_202, %dma_wait3A_203] : memref<1000000x32xf32, #tpu.memory_space<hbm>> -> memref<1000000x32xf32, #tpu.memory_space<hbm>>
    tpu.wait_indirect_dma semaphore(%arg18 : memref<!tpu.dma_semaphore, #tpu.memory_space<semaphore_mem>>) src(%dma_wait3A_204 : memref<1000000x32xf32, #tpu.memory_space<hbm>>) dst(%dma_wait3A_199 : memref<128x32xf32, #tpu.memory_space<vmem>>)
    %dma_wait3A_205 = arith.constant 384 : i32
    %dma_wait3A_206 = arith.constant 0 : i32
    %dma_wait3A_207 = tpu.memref_slice %arg15[%dma_wait3A_205, %dma_wait3A_206] : memref<512x32xf32, #tpu.memory_space<vmem>> -> memref<128x32xf32, #tpu.memory_space<vmem>>
    %dma_wait3A_208 = arith.constant 384 : i32
    %dma_wait3A_209 = tpu.memref_slice %arg13[%dma_wait3A_208] : memref<512xi32, #tpu.memory_space<vmem>> -> memref<128xi32, #tpu.memory_space<vmem>>
    %dma_wait3A_210 = arith.constant 0 : i32
    %dma_wait3A_211 = arith.constant 0 : i32
    %dma_wait3A_212 = tpu.memref_slice %arg3[%dma_wait3A_210, %dma_wait3A_211] : memref<100000x32xf32, #tpu.memory_space<hbm>> -> memref<100000x32xf32, #tpu.memory_space<hbm>>
    tpu.wait_indirect_dma semaphore(%arg18 : memref<!tpu.dma_semaphore, #tpu.memory_space<semaphore_mem>>) src(%dma_wait3A_212 : memref<100000x32xf32, #tpu.memory_space<hbm>>) dst(%dma_wait3A_207 : memref<128x32xf32, #tpu.memory_space<vmem>>)
    %dma_wait3A_213 = arith.constant 384 : i32
    %dma_wait3A_214 = tpu.memref_slice %arg16[%dma_wait3A_213] : memref<512xf32, #tpu.memory_space<vmem>> -> memref<128xf32, #tpu.memory_space<vmem>>
    %dma_wait3A_215 = arith.constant 384 : i32
    %dma_wait3A_216 = tpu.memref_slice %arg12[%dma_wait3A_215] : memref<512xi32, #tpu.memory_space<vmem>> -> memref<128xi32, #tpu.memory_space<vmem>>
    %dma_wait3A_217 = arith.constant 0 : i32
    %dma_wait3A_218 = tpu.memref_slice %arg4[%dma_wait3A_217] : memref<1000000xf32, #tpu.memory_space<hbm>> -> memref<1000000xf32, #tpu.memory_space<hbm>>
    tpu.wait_indirect_dma semaphore(%arg18 : memref<!tpu.dma_semaphore, #tpu.memory_space<semaphore_mem>>) src(%dma_wait3A_218 : memref<1000000xf32, #tpu.memory_space<hbm>>) dst(%dma_wait3A_214 : memref<128xf32, #tpu.memory_space<vmem>>)
    %dma_wait3A_219 = arith.constant 384 : i32
    %dma_wait3A_220 = tpu.memref_slice %arg17[%dma_wait3A_219] : memref<512xf32, #tpu.memory_space<vmem>> -> memref<128xf32, #tpu.memory_space<vmem>>
    %dma_wait3A_221 = arith.constant 384 : i32
    %dma_wait3A_222 = tpu.memref_slice %arg13[%dma_wait3A_221] : memref<512xi32, #tpu.memory_space<vmem>> -> memref<128xi32, #tpu.memory_space<vmem>>
    %dma_wait3A_223 = arith.constant 0 : i32
    %dma_wait3A_224 = tpu.memref_slice %arg5[%dma_wait3A_223] : memref<100000xf32, #tpu.memory_space<hbm>> -> memref<100000xf32, #tpu.memory_space<hbm>>
    tpu.wait_indirect_dma semaphore(%arg18 : memref<!tpu.dma_semaphore, #tpu.memory_space<semaphore_mem>>) src(%dma_wait3A_224 : memref<100000xf32, #tpu.memory_space<hbm>>) dst(%dma_wait3A_220 : memref<128xf32, #tpu.memory_space<vmem>>)
    "tpu.region"() ({
      %run_scoped3A = tpu.sem_alloc : memref<!tpu.dma_semaphore, #tpu.memory_space<semaphore_mem>>
      %dma_start3A_225 = arith.constant 0 : i32
      %dma_start3A_226 = tpu.memref_slice %arg8[%mul3A_2, %dma_start3A_225] : memref<16384x32xf32, #tpu.memory_space<hbm>> -> memref<512x32xf32, #tpu.memory_space<hbm>>
      %dma_start3A_227 = arith.constant 0 : i32
      %dma_start3A_228 = tpu.memref_slice %arg8[%mul3A_2, %dma_start3A_227] : memref<16384x32xf32, #tpu.memory_space<hbm>> -> memref<512x32xf32, #tpu.memory_space<hbm>>
      tpu.enqueue_dma source(%arg14 : memref<512x32xf32, #tpu.memory_space<vmem>>) target(%dma_start3A_228 : memref<512x32xf32, #tpu.memory_space<hbm>>) target_semaphore(%run_scoped3A : memref<!tpu.dma_semaphore, #tpu.memory_space<semaphore_mem>>)
      %dma_wait3A_229 = arith.constant 0 : i32
      %dma_wait3A_230 = tpu.memref_slice %arg8[%mul3A_2, %dma_wait3A_229] : memref<16384x32xf32, #tpu.memory_space<hbm>> -> memref<512x32xf32, #tpu.memory_space<hbm>>
      %dma_wait3A_231 = arith.constant 0 : i32
      %dma_wait3A_232 = tpu.memref_slice %arg8[%mul3A_2, %dma_wait3A_231] : memref<16384x32xf32, #tpu.memory_space<hbm>> -> memref<512x32xf32, #tpu.memory_space<hbm>>
      tpu.wait_dma2 semaphore(%run_scoped3A : memref<!tpu.dma_semaphore, #tpu.memory_space<semaphore_mem>>) src(%arg14 : memref<512x32xf32, #tpu.memory_space<vmem>>) dst(%dma_wait3A_232 : memref<512x32xf32, #tpu.memory_space<hbm>>)
      tpu.yield
    }) : () -> ()
    "tpu.region"() ({
      %run_scoped3A = tpu.sem_alloc : memref<!tpu.dma_semaphore, #tpu.memory_space<semaphore_mem>>
      %dma_start3A_225 = arith.constant 0 : i32
      %dma_start3A_226 = tpu.memref_slice %arg9[%mul3A_2, %dma_start3A_225] : memref<16384x32xf32, #tpu.memory_space<hbm>> -> memref<512x32xf32, #tpu.memory_space<hbm>>
      %dma_start3A_227 = arith.constant 0 : i32
      %dma_start3A_228 = tpu.memref_slice %arg9[%mul3A_2, %dma_start3A_227] : memref<16384x32xf32, #tpu.memory_space<hbm>> -> memref<512x32xf32, #tpu.memory_space<hbm>>
      tpu.enqueue_dma source(%arg15 : memref<512x32xf32, #tpu.memory_space<vmem>>) target(%dma_start3A_228 : memref<512x32xf32, #tpu.memory_space<hbm>>) target_semaphore(%run_scoped3A : memref<!tpu.dma_semaphore, #tpu.memory_space<semaphore_mem>>)
      %dma_wait3A_229 = arith.constant 0 : i32
      %dma_wait3A_230 = tpu.memref_slice %arg9[%mul3A_2, %dma_wait3A_229] : memref<16384x32xf32, #tpu.memory_space<hbm>> -> memref<512x32xf32, #tpu.memory_space<hbm>>
      %dma_wait3A_231 = arith.constant 0 : i32
      %dma_wait3A_232 = tpu.memref_slice %arg9[%mul3A_2, %dma_wait3A_231] : memref<16384x32xf32, #tpu.memory_space<hbm>> -> memref<512x32xf32, #tpu.memory_space<hbm>>
      tpu.wait_dma2 semaphore(%run_scoped3A : memref<!tpu.dma_semaphore, #tpu.memory_space<semaphore_mem>>) src(%arg15 : memref<512x32xf32, #tpu.memory_space<vmem>>) dst(%dma_wait3A_232 : memref<512x32xf32, #tpu.memory_space<hbm>>)
      tpu.yield
    }) : () -> ()
    "tpu.region"() ({
      %run_scoped3A = tpu.sem_alloc : memref<!tpu.dma_semaphore, #tpu.memory_space<semaphore_mem>>
      %dma_start3A_225 = tpu.memref_slice %arg10[%mul3A_2] : memref<16384xf32, #tpu.memory_space<hbm>> -> memref<512xf32, #tpu.memory_space<hbm>>
      %dma_start3A_226 = tpu.memref_slice %arg10[%mul3A_2] : memref<16384xf32, #tpu.memory_space<hbm>> -> memref<512xf32, #tpu.memory_space<hbm>>
      tpu.enqueue_dma source(%arg16 : memref<512xf32, #tpu.memory_space<vmem>>) target(%dma_start3A_226 : memref<512xf32, #tpu.memory_space<hbm>>) target_semaphore(%run_scoped3A : memref<!tpu.dma_semaphore, #tpu.memory_space<semaphore_mem>>)
      %dma_wait3A_227 = tpu.memref_slice %arg10[%mul3A_2] : memref<16384xf32, #tpu.memory_space<hbm>> -> memref<512xf32, #tpu.memory_space<hbm>>
      %dma_wait3A_228 = tpu.memref_slice %arg10[%mul3A_2] : memref<16384xf32, #tpu.memory_space<hbm>> -> memref<512xf32, #tpu.memory_space<hbm>>
      tpu.wait_dma2 semaphore(%run_scoped3A : memref<!tpu.dma_semaphore, #tpu.memory_space<semaphore_mem>>) src(%arg16 : memref<512xf32, #tpu.memory_space<vmem>>) dst(%dma_wait3A_228 : memref<512xf32, #tpu.memory_space<hbm>>)
      tpu.yield
    }) : () -> ()
    "tpu.region"() ({
      %run_scoped3A = tpu.sem_alloc : memref<!tpu.dma_semaphore, #tpu.memory_space<semaphore_mem>>
      %dma_start3A_225 = tpu.memref_slice %arg11[%mul3A_2] : memref<16384xf32, #tpu.memory_space<hbm>> -> memref<512xf32, #tpu.memory_space<hbm>>
      %dma_start3A_226 = tpu.memref_slice %arg11[%mul3A_2] : memref<16384xf32, #tpu.memory_space<hbm>> -> memref<512xf32, #tpu.memory_space<hbm>>
      tpu.enqueue_dma source(%arg17 : memref<512xf32, #tpu.memory_space<vmem>>) target(%dma_start3A_226 : memref<512xf32, #tpu.memory_space<hbm>>) target_semaphore(%run_scoped3A : memref<!tpu.dma_semaphore, #tpu.memory_space<semaphore_mem>>)
      %dma_wait3A_227 = tpu.memref_slice %arg11[%mul3A_2] : memref<16384xf32, #tpu.memory_space<hbm>> -> memref<512xf32, #tpu.memory_space<hbm>>
      %dma_wait3A_228 = tpu.memref_slice %arg11[%mul3A_2] : memref<16384xf32, #tpu.memory_space<hbm>> -> memref<512xf32, #tpu.memory_space<hbm>>
      tpu.wait_dma2 semaphore(%run_scoped3A : memref<!tpu.dma_semaphore, #tpu.memory_space<semaphore_mem>>) src(%arg17 : memref<512xf32, #tpu.memory_space<vmem>>) dst(%dma_wait3A_228 : memref<512xf32, #tpu.memory_space<hbm>>)
      tpu.yield
    }) : () -> ()
    return
  }
}

module attributes {stable_mosaic.version = 14 : i64} {
  func.func @_dot_kernel(%arg0: memref<16384x32xf32, #tpu.memory_space<vmem>>, %arg1: memref<16384x32xf32, #tpu.memory_space<vmem>>, %arg2: memref<16384xf32, #tpu.memory_space<vmem>>, %arg3: memref<16384xf32, #tpu.memory_space<vmem>>, %arg4: memref<16384xf32, #tpu.memory_space<vmem>>) attributes {dimension_semantics = [], scalar_prefetch = 0 : i64, scratch_operands = 0 : i64, tpu.core_type = #tpu.core_type<tc>} {
    %get3A = arith.constant 0 : index
    %get3A_0 = arith.constant 0 : index
    %get3A_1 = vector.load %arg0[%get3A, %get3A_0] : memref<16384x32xf32, #tpu.memory_space<vmem>>, vector<16384x32xf32>
    %get3A_2 = arith.constant 0 : index
    %get3A_3 = arith.constant 0 : index
    %get3A_4 = vector.load %arg1[%get3A_2, %get3A_3] : memref<16384x32xf32, #tpu.memory_space<vmem>>, vector<16384x32xf32>
    %mul3A = arith.mulf %get3A_1, %get3A_4 : vector<16384x32xf32>
    %reduce_sum3A = arith.constant dense<0.000000e+00> : vector<16384xf32>
    %reduce_sum3A_5 = vector.multi_reduction <add>, %mul3A, %reduce_sum3A [1] : vector<16384x32xf32> to vector<16384xf32>
    %get3A_6 = arith.constant 0 : index
    %get3A_7 = vector.load %arg2[%get3A_6] : memref<16384xf32, #tpu.memory_space<vmem>>, vector<16384xf32>
    %add3A = arith.addf %reduce_sum3A_5, %get3A_7 : vector<16384xf32>
    %get3A_8 = arith.constant 0 : index
    %get3A_9 = vector.load %arg3[%get3A_8] : memref<16384xf32, #tpu.memory_space<vmem>>, vector<16384xf32>
    %add3A_10 = arith.addf %add3A, %get3A_9 : vector<16384xf32>
    %swap3A = arith.constant 0 : index
    %swap3A_11 = vector.load %arg4[%swap3A] : memref<16384xf32, #tpu.memory_space<vmem>>, vector<16384xf32>
    tpu.vector_store %arg4[%swap3A], %add3A_10 {strides = array<i32>} : memref<16384xf32, #tpu.memory_space<vmem>>, vector<16384xf32>,
    return
  }
}

</mosaic_0001>

<sc_bundles>
// kernel: kernel.4.cloned.1.call-start
scs
__scs_entry_jumppad:
0x0: {  	(pc) =	sbr.rel $0x88, $3  }
0x1: {  	(tag) =	ssettag $0x0;
	lr =	simm.s32 $0x1  }
0x2: {  	[smem:$0x3F9B] =	sst lr;
	_ =	strace $0xD0000000  }
0x3: {  	_ = 	snop  }
0x4: {  	_ = 	snop  }
0x5: {  	_ = 	snop  }
0x6: {  	_ = 	snop  }
0x7: {  	_ = 	snop  }
__scs_overlays_trampoline_lowered:
0x8: {  	[smem:$0x3FAA] =	sst s0  }
0x9: {  	[smem:$0x3FAB] =	sst s1  }
0xa: {  	[smem:$0x3FAC] =	sst s2  }
0xb: {  	[smem:$0x3FAD] =	sst s3  }
0xc: {  	[smem:$0x3FAE] =	sst s4  }
0xd: {  	[smem:$0x3FAF] =	sst s5  }
0xe: {  	[smem:$0x3FB0] =	sst s6  }
0xf: {  	[smem:$0x3FB1] =	sst s7  }
0x10: {  	[smem:$0x3FB2] =	sst s8  }
0x11: {  	[smem:$0x3FB3] =	sst s9;
	s0 =	simm.s32 @!p0 $0x0  }
0x12: {  	s1 =	sld [smem:$0x3F99];
	s0 =	simm.s32 @p0 $0x1  }
0x13: {  	[smem:$0x3FB4] =	sst s0;
	s0 =	simm.s32 @!p1 $0x0  }
0x14: {  	s2 =	sld [smem:$0x3F98];
	s0 =	simm.s32 @p1 $0x1  }
0x15: {  	[smem:$0x3FB5] =	sst s0;
	s0 =	simm.s32 @!p2 $0x0  }
0x16: {  	s3 =	sld [smem:$0x3FDB];
	s0 =	simm.s32 @p2 $0x1  }
0x17: {  	s4 =	simm.s32 $0x1BF5;
	[smem:$0x3FB7] =	sst s0  }
0x18: {  	s0 =	sld [smem:$0x3F9A];
	_ =	swait.ge [sflag:s4], $0x0  }
0x19: {  	s7 =	sld [smem:$0x3F9B]  }
0x1a: {  	s8 =	sadd.s32 $0xFFFFE003, lr  }
0x1b: {  	s9 =	sadd.s32 $0xFFFFFEF7, lr;
	s5 =	simm.s32 $0xFFFFFFFF;
	p2 =	slt.u32 s8, $0xFFFFF086  }
0x1c: {  	p1 =	slt.u32 s9, $0xF7A;
	s5 =	simm.s32 @!p2 $0x0  }
0x1d: {  	s5 =	simm.s32 @p1 $0x1;
	p0 =	seq.s32 s7, s2  }
0x1e: {  	s7 =	smul.u32 @!p0 $0xF7A, s2;
	p2 =	seq.s32 @!p0 s5, $0x0  }
0x1f: {  	s9 =	smul.u32 $0xF7A, s1;
	s8 =	simm.s32 @!p0 $0x1BF5;
	p2 =	por !p2, p0  }
0x20: {  	[sflag:s8] =	ssyncset.s32 @!p0 $0xFFFFF086;
	s6 =	sadd.s32 @!p0 s3, s7;
	s7 =	simm.s32 @!p0 $0x108  }
0x21: {  	s3 =	sadd.s32 s3, s9;
	s6 =	sadd.s32 @!p0 $0x88, s6;
	s7 =	simm.s32 @p2 $0x1082  }
0x22: {  	[simem:s7], [sflag:s8] =	dma.local @!p0 [hbm:s6], $0xF7A  }
0x23: {  	s9 =	sor.u32 $0xD0000000, s2;
	s6 =	simm.s32 $0x108;
	_ =	swait.ge @!p0 [sflag:s8], $0x0  }
0x24: {  	s3 =	sadd.s32 $0x88, s3;
	s6 =	simm.s32 @!p1 $0x1082;
	[sflag:s4] =	ssyncset.s32 $0xFFFFF086  }
0x25: {  	[simem:s6], [sflag:s4] =	dma.local [hbm:s3], $0xF7A  }
0x26: {  	[smem:$0x3F9B] =	sst s1;
	(tag) =	ssettag s2;
	_ =	strace s9  }
0x27: {  	s1 =	sld [smem:$0x3FAB]  }
0x28: {  	s2 =	sld [smem:$0x3FAC]  }
0x29: {  	s4 =	sld [smem:$0x3FAE]  }
0x2a: {  	p0 =	seq.s32 s5, $0x0;
	s5 =	sld [smem:$0x3FAF]  }
0x2b: {  	s6 =	sld [smem:$0x3FB0]  }
0x2c: {  	s7 =	sld [smem:$0x3FB1]  }
0x2d: {  	s3 =	simm.s32 $0x108;
	s8 =	sld [smem:$0x3FB2]  }
0x2e: {  	s3 =	simm.s32 @!p0 $0x1082;
	s9 =	sld [smem:$0x3FB3]  }
0x2f: {  	lr =	sadd.s32 s0, s3;
	s0 =	sld [smem:$0x3FAA]  }
0x30: {  	s3 =	sld [smem:$0x3FAD]  }
0x31: {  	[smem:$0x3FB6] =	sst s10  }
0x32: {  	s10 =	sld [smem:$0x3FB4];
	_ =	sdelay $0x3  }
0x33: {  	p0 =	seq.s32 s10, $0x1;
	s10 =	sld [smem:$0x3FB6];
	_ =	sdelay $0x3  }
0x34: {  	[smem:$0x3FB6] =	sst s10  }
0x35: {  	s10 =	sld [smem:$0x3FB5];
	_ =	sdelay $0x3  }
0x36: {  	p1 =	seq.s32 s10, $0x1;
	s10 =	sld [smem:$0x3FB6];
	_ =	sdelay $0x3  }
0x37: {  	[smem:$0x3FB6] =	sst s10  }
0x38: {  	s10 =	sld [smem:$0x3FB7]  }
0x39: {  	_ = 	snop;
	(pc) =	sbr.ind lr, $3  }
0x3a: {  	_ = 	snop  }
0x3b: {  	_ = 	snop  }
0x3c: {  	p2 =	seq.s32 s10, $0x1;
	s10 =	sld [smem:$0x3FB6]  }
0x3d: {  	_ =	shalt  }
0x3e: {  	_ =	shalt  }
0x3f: {  	_ =	shalt  }
0x40: {  	_ =	shalt  }
0x41: {  	_ =	shalt  }
0x42: {  	_ =	shalt  }
0x43: {  	_ =	shalt  }
0x44: {  	_ =	shalt  }
0x45: {  	_ =	shalt  }
0x46: {  	_ =	shalt  }
0x47: {  	_ =	shalt  }
0x48: {  	_ =	shalt  }
0x49: {  	_ =	shalt  }
0x4a: {  	_ =	shalt  }
0x4b: {  	_ =	shalt  }
0x4c: {  	_ =	shalt  }
0x4d: {  	_ =	shalt  }
0x4e: {  	_ =	shalt  }
0x4f: {  	_ =	shalt  }
0x50: {  	_ =	shalt  }
0x51: {  	_ =	shalt  }
0x52: {  	_ =	shalt  }
0x53: {  	_ =	shalt  }
0x54: {  	_ =	shalt  }
0x55: {  	_ =	shalt  }
0x56: {  	_ =	shalt  }
0x57: {  	_ =	shalt  }
0x58: {  	_ =	shalt  }
0x59: {  	_ =	shalt  }
0x5a: {  	_ =	shalt  }
0x5b: {  	_ =	shalt  }
0x5c: {  	_ =	shalt  }
0x5d: {  	_ =	shalt  }
0x5e: {  	_ =	shalt  }
0x5f: {  	_ =	shalt  }
0x60: {  	_ =	shalt  }
0x61: {  	_ =	shalt  }
0x62: {  	_ =	shalt  }
0x63: {  	_ =	shalt  }
0x64: {  	_ =	shalt  }
0x65: {  	_ =	shalt  }
0x66: {  	_ =	shalt  }
0x67: {  	_ =	shalt  }
0x68: {  	_ =	shalt  }
0x69: {  	_ =	shalt  }
0x6a: {  	_ =	shalt  }
0x6b: {  	_ =	shalt  }
0x6c: {  	_ =	shalt  }
0x6d: {  	_ =	shalt  }
0x6e: {  	_ =	shalt  }
0x6f: {  	_ =	shalt  }
0x70: {  	_ =	shalt  }
0x71: {  	_ =	shalt  }
0x72: {  	_ =	shalt  }
0x73: {  	_ =	shalt  }
0x74: {  	_ =	shalt  }
0x75: {  	_ =	shalt  }
0x76: {  	_ =	shalt  }
0x77: {  	_ =	shalt  }
0x78: {  	_ =	shalt  }
0x79: {  	_ =	shalt  }
0x7a: {  	_ =	shalt  }
0x7b: {  	_ =	shalt  }
0x7c: {  	_ =	shalt  }
0x7d: {  	_ =	shalt  }
0x7e: {  	_ =	shalt  }
0x7f: {  	_ =	shalt  }
0x80: {  	_ =	shalt  }
0x81: {  	_ =	shalt  }
0x82: {  	_ =	shalt  }
0x83: {  	_ =	shalt  }
0x84: {  	_ =	shalt  }
0x85: {  	_ =	shalt  }
0x86: {  	_ =	shalt  }
0x87: {  	_ =	shalt  }
.Lfunc_end0:
.L_simem_size_0:
called_computation_lowered:
.L_overlay_start_0:
0x88: {  	s2 =	sld [smem:$0x3FD9]  }
0x89: {  	s3 =	sld [smem:$0x3FFE];
	_ =	sdelay $0x1  }
0x8a: {  	s1 =	srdreg.scid  }
0x8b: {  	s0 =	sand.u32 $0x1, s1  }
0x8c: {  	s17 =	sshll.u32 s0, $0xA;
	s2 =	sadd.s32 s3, s2  }
0x8d: {  	s2 =	sadd.s32 s2, s17  }
0x8e: {  	[smem:$0x3FC2] =	sst s2  }
0x8f: {  	_ = 	snop  }
0x90: {  	s2 =	sld [smem:$0x3FC9]  }
0x91: {  	s18 =	sld [smem:$0x3FC8]  }
0x92: {  	s4 =	sld [smem:$0x3FD0];
	(tm) =	ssettm $0x1  }
0x93: {  	s5 =	sld [smem:$0x3FFB];
	_ =	sdelay $0x3  }
0x94: {  	_ =	strace s5  }
0x95: {  	s5 =	sld [smem:$0x3FFC];
	_ =	sdelay $0x3  }
0x96: {  	_ =	strace s5  }
0x97: {  	s5 =	sld [smem:$0x3FFD];
	_ =	sdelay $0x3  }
0x98: {  	_ =	strace s5  }
0x99: {  	_ =	strace $0x8FFFFFFF  }
0x9a: {  	s19 =	sld [smem:$0x3FDB];
	_ =	sdelay $0x1  }
0x9b: {  	s6 =	simm.s32 $_scs_section_size  }
0x9c: {  	s7 =	simm.s32 $_size__tile_overlayer_lowered;
	s8 =	simm.s32 $_tile_overlayer_lowered  }
0x9d: {  	s22 =	simm.s32 $0x1BFF;
	s21 =	sshll.u32 s8, $0x1;
	s5 =	sadd.s32 s6, s19  }
0x9e: {  	s9 =	simm.s32 $0x0;
	s20 =	sshll.u32 s7, $0x1;
	s7 =	sadd.s32 s21, s5  }
0x9f: {  	[timem:s9], [sflag:s22] =	dma.local [hbm:s7], s20  }
0xa0: {  	_ =	swait.ge [sflag:s22], s20  }
0xa1: {  	s6 =	ssub.s32 $0x0, s20;
	[sflag:s22] =	ssyncset.done $0x0  }
0xa2: {  	[sflag:s22] =	ssyncadd.s32 s6;
	_ =	sdelay $0x1  }
0xa3: {  	s23 =	simm.s32 $0x1B8B  }
0xa4: {  	_ =	swait.ge [sflag:s23], $0x1  }
0xa5: {  	[sflag:s23] =	ssyncset.done $0x0  }
0xa6: {  	s25 =	simm.s32 $0x1B8E;
	s24 =	sld [smem:$0x3FFE];
	[sflag:s23] =	ssyncadd.s32 $0xFFFFFFFF  }
0xa7: {  	s26 =	simm.s32 $execute0_lowered;
	[smem:$0x3FD2] =	sst s25  }
0xa8: {  	s7 =	sshll.u32 s26, $0x1;
	_ =	strace $0x80000046;
	[dreg:$0x1] =	wrdreg $0xFFFFFFFF  }
0xa9: {  	s28 =	simm.s32 $_size_execute0_lowered;
	s5 =	sadd.s32 s5, s7;
	[dreg:$0x0] =	wrdreg $0x0  }
0xaa: {  	s7 =	sshll.u32 s28, $0x1;
	[dreg:$0x2] =	wrdreg s5  }
0xab: {  	[dreg:$0x3] =	wrdreg s7  }
0xac: {  	[dreg:$0x4] =	wrdreg $0xC0  }
0xad: {  	_ =	task [dreg:s9], $0x5FFFF  }
0xae: {  	[dreg:$0x1] =	wrdreg $0xFFFFFFFF  }
0xaf: {  	[dreg:$0x0] =	wrdreg $0x60  }
0xb0: {  	[dreg:$0x2] =	wrdreg s24  }
0xb1: {  	[dreg:$0x3] =	wrdreg s2  }
0xb2: {  	[dreg:$0x4] =	wrdreg s18  }
0xb3: {  	[dreg:$0x5] =	wrdreg s4  }
0xb4: {  	[dreg:$0x6] =	wrdreg $0x9  }
0xb5: {  	_ =	task.clear_ibuf [dreg:s9], $0x7FFFF;
	_ =	strace $0x90000046  }
0xb6: {  	s29 =	simm.s32 $0x9;
	_ =	strace $0x80000048  }
0xb7: {  	_ =	swait.ge [sflag:s29], $0x1  }
0xb8: {  	[sflag:s29] =	ssyncadd.s32 $0xFFFFFFFF  }
0xb9: {  	_ =	strace $0x90000048  }
0xba: {  	_ =	sfence  }
0xbb: {  	s30 =	sld [smem:$0x0];
	_ =	sdelay $0x2  }
0xbc: {  	s31 =	sshll.u32 s1, $0xD;
	s1 =	sshrl.u32 s1, $0x2  }
0xbd: {  	s3 =	sand.u32 $0x4000, s31;
	s1 =	sadd.s32 s1, s30  }
0xbe: {  	s0 =	sor.u32 s3, s0;
	s1 =	sshll.u32 s1, $0x11  }
0xbf: {  	s0 =	sor.u32 s1, s0  }
0xc0: {  	s0 =	sadd.s32 $0x8F2B, s0  }
0xc1: {  	[sflag:s0] =	ssyncadd.remote.s32 $0x1  }
0xc2: {  	_ =	sfence.sel $0xFFFF  }
0xc3: {  	[dreg:$0x0] =	wrdreg $0xFFFFFFFF;
	(pc) =	sbr.abs _section_cstart, $3  }
0xc4: {  	[dreg:$0x1] =	wrdreg $0xFFFFFFFF  }
0xc5: {  	_ =	task.clear_ibuf [dreg:s9], $0x2FFFF;
	_ =	strace $0x9FFFFFFF  }
0xc6: {  	(tm) =	ssettm $0x7FFFFFFF  }
0xc7: {  	_ =	shalt  }
tec
execute0_lowered:
.L_overlay_start_1:
0x0: {  	(tag) =	ssettag $0x1  }
0x1: {  	s0 =	rddreg [dreg:$0x0]  }
0x2: {  	s1 =	rddreg [dreg:$0x1]  }
0x3: {  	s3 =	rddreg [dreg:$0x2]  }
0x4: {  	s4 =	rddreg [dreg:$0x3];
	s5 =	srdreg.scid  }
0x5: {  	s2 =	simm.s32 $0x0;
	s6 =	stileid.u32;
	s14 =	simm.s32 $0x200  }
0x6: {  	s13 =	simm.s32 $0x80;
	s15 =	simm.s32 $0x280;
	s18 =	simm.s32 $0x5400  }
0x7: {  	s19 =	simm.s32 $0x8480;
	s20 =	simm.s32 $0x8680;
	s16 =	simm.s32 $0x100  }
0x8: {  	s17 =	simm.s32 $0x300;
	s21 =	simm.s32 $0x180;
	p0 =	por $0x0, $0x0  }
0x9: {  	s28 =	simm.s32 $0x3400;
	s29 =	simm.s32 $0x7400;
	s30 =	simm.s32 $0x8580  }
0xa: {  	s31 =	simm.s32 $0x8780;
	[smem:$0x7FF] =	sst s2;
	s6 =	sshll.u32 s6, $0xA  }
0xb: {  	s5 =	sand.u32 $0x1, s5;
	s8 =	sadd.s32 $0xF42C00, s0;
	s9 =	sadd.s32 $0x187200, s0  }
0xc: {  	s11 =	sadd.s32 $0x800, s0;
	s12 =	sadd.s32 $0x1F200, s0;
	s7 =	sshll.u32 s5, $0x9  }
0xd: {  	_ =	strace $0x80000047;
	s5 =	ssub.s32 $0x2, s5;
	s6 =	sor.u32 s7, s6  }
0xe: {  	s26 =	sshrl.u32 s5, $0x1;
	s7 =	sshrl.u32 s6, $0x3;
	s6 =	sshll.u32 s6, $0x2  }
0xf: {  	s1 =	sadd.s32 s1, s7;
	s6 =	sadd.s32 s6, s0;
	s22 =	sadd.s32 s3, s7  }
0x10: {  	s23 =	sadd.s32 s7, s0;
	s4 =	sadd.s32 s4, s7;
	[dreg:$0x5] =	wrdreg s1  }
0x11: {  	s3 =	simm.s32 $0x2;
	[dreg:$0x6] =	wrdreg s22;
	s24 =	sadd.s32 $0x32400, s6  }
0x12: {  	s25 =	sadd.s32 $0x22400, s6;
	s6 =	ssub.s32 s5, s26;
	[dreg:$0x9] =	wrdreg s4  }
0x13: {  	s7 =	sadd.s32 $0x42400, s23;
	s26 =	simm.s32 $0x1400;
	s10 =	smax.u32 s6, $0x1  }
0x14: {  	s5 =	simm.s32 $0x8400;
	[dreg:$0x7] =	wrdreg s24;
	p1 =	sne.s32 s10, $0x1  }
.Ltmp0:
0x15: {  	s4 =	simm.s32 $0x8600;
	[dreg:$0x8] =	wrdreg s25;
	(pc) =	sbr.rel @!p1 .LBB2_3-.Ltmp0, $4  }
0x16: {  	s22 =	simm.s32 $0x2400;
	s23 =	simm.s32 $0x6400;
	[dreg:$0xa] =	wrdreg s7  }
0x17: {  	s7 =	simm.s32 $0x400;
	s6 =	simm.s32 $0x4400;
	[dreg:$0xb] =	wrdreg s26  }
0x18: {  	s24 =	simm.s32 $0x8500;
	s25 =	simm.s32 $0x8700;
	s26 =	simm.s32 $0x380  }
0x19: {  	s1 =	rddreg [dreg:$0x5];
	s0 =	sadd.s32 $0xFFFFFFFF, s10;
	s10 =	simm.s32 $0x1  }
0x1a: {  	[tilespmem:s2], [sflag:$0x2] =	stream.linear.gather [hbm4b:s1+s2], $0x200, $0x38;
	[tilespmem:$0x8800] =	vst v63  }
0x1b: {  	_ =	swait.ge [sflag:s3], $0x200  }
0x1c: {  	[sflag:s3] =	ssyncset.done $0x0  }
0x1d: {  	s1 =	rddreg [dreg:$0x6];
	[sflag:s3] =	ssyncadd.s32 $0xFFFFFE00  }
0x1e: {  	[tilespmem:s14], [sflag:$0x2] =	stream.linear.gather [hbm4b:s1+s2], $0x200, $0x38;
	[tilespmem:$0x8800] =	vst v63  }
0x1f: {  	_ =	swait.ge [sflag:s3], $0x200  }
0x20: {  	[sflag:s3] =	ssyncset.done $0x0  }
0x21: {  	[sflag:s3] =	ssyncadd.s32 $0xFFFFFE00  }
0x22: {  	[tilespmem:s7], [sflag:$0x1] =	stream.indirect.gather [hbm4b:s8+s13], $0x20, s2, s13, $0xb8;
	[tilespmem:$0x8800] =	vst v63  }
0x23: {  	_ = 	snop  }
0x24: {  	[tilespmem:s6], [sflag:$0x1] =	stream.indirect.gather [hbm4b:s9+s13], $0x20, s14, s13, $0xb8;
	[tilespmem:$0x8800] =	vst v63  }
0x25: {  	_ = 	snop  }
0x26: {  	[tilespmem:s5], [sflag:$0x1] =	stream.indirect.gather [hbm4b:s11+s13], $0x1, s2, s13, $0xb8;
	[tilespmem:$0x8800] =	vst v63  }
0x27: {  	_ = 	snop  }
0x28: {  	[tilespmem:s4], [sflag:$0x1] =	stream.indirect.gather [hbm4b:s12+s13], $0x1, s14, s13, $0xb8;
	[tilespmem:$0x8800] =	vst v63  }
0x29: {  	s1 =	rddreg [dreg:$0xb]  }
0x2a: {  	[tilespmem:s1], [sflag:$0x1] =	stream.indirect.gather [hbm4b:s8+s13], $0x20, s13, s13, $0xb8;
	[tilespmem:$0x8800] =	vst v63  }
0x2b: {  	_ = 	snop  }
0x2c: {  	[tilespmem:s18], [sflag:$0x1] =	stream.indirect.gather [hbm4b:s9+s13], $0x20, s15, s13, $0xb8;
	[tilespmem:$0x8800] =	vst v63  }
0x2d: {  	_ = 	snop  }
0x2e: {  	[tilespmem:s19], [sflag:$0x1] =	stream.indirect.gather [hbm4b:s11+s13], $0x1, s13, s13, $0xb8;
	[tilespmem:$0x8800] =	vst v63  }
0x2f: {  	_ = 	snop  }
0x30: {  	[tilespmem:s20], [sflag:$0x1] =	stream.indirect.gather [hbm4b:s12+s13], $0x1, s15, s13, $0xb8;
	[tilespmem:$0x8800] =	vst v63  }
0x31: {  	_ = 	snop  }
0x32: {  	[tilespmem:s22], [sflag:$0x1] =	stream.indirect.gather [hbm4b:s8+s13], $0x20, s16, s13, $0xb8;
	[tilespmem:$0x8800] =	vst v63  }
0x33: {  	_ = 	snop  }
0x34: {  	[tilespmem:s23], [sflag:$0x1] =	stream.indirect.gather [hbm4b:s9+s13], $0x20, s17, s13, $0xb8;
	[tilespmem:$0x8800] =	vst v63  }
0x35: {  	_ = 	snop  }
0x36: {  	[tilespmem:s24], [sflag:$0x1] =	stream.indirect.gather [hbm4b:s11+s13], $0x1, s16, s13, $0xb8;
	[tilespmem:$0x8800] =	vst v63  }
0x37: {  	_ = 	snop  }
0x38: {  	[tilespmem:s25], [sflag:$0x1] =	stream.indirect.gather [hbm4b:s12+s13], $0x1, s17, s13, $0xb8;
	[tilespmem:$0x8800] =	vst v63  }
0x39: {  	_ = 	snop  }
0x3a: {  	[tilespmem:s28], [sflag:$0x1] =	stream.indirect.gather [hbm4b:s8+s13], $0x20, s21, s13, $0xb8;
	[tilespmem:$0x8800] =	vst v63  }
0x3b: {  	_ = 	snop  }
0x3c: {  	[tilespmem:s29], [sflag:$0x1] =	stream.indirect.gather [hbm4b:s9+s13], $0x20, s26, s13, $0xb8;
	[tilespmem:$0x8800] =	vst v63  }
0x3d: {  	_ = 	snop  }
0x3e: {  	[tilespmem:s30], [sflag:$0x1] =	stream.indirect.gather [hbm4b:s11+s13], $0x1, s21, s13, $0xb8;
	[tilespmem:$0x8800] =	vst v63  }
0x3f: {  	_ = 	snop  }
0x40: {  	[tilespmem:s31], [sflag:$0x1] =	stream.indirect.gather [hbm4b:s12+s13], $0x1, s26, s13, $0xb8;
	[tilespmem:$0x8800] =	vst v63  }
0x41: {  	_ =	swait.ge [sflag:s10], $0x1000  }
0x42: {  	[sflag:s10] =	ssyncset.done $0x0  }
0x43: {  	[sflag:s10] =	ssyncadd.s32 $0xFFFFF000  }
0x44: {  	_ =	swait.ge [sflag:s10], $0x1000  }
0x45: {  	[sflag:s10] =	ssyncset.done $0x0  }
0x46: {  	[sflag:s10] =	ssyncadd.s32 $0xFFFFF000  }
0x47: {  	_ =	swait.ge [sflag:s10], $0x80  }
0x48: {  	[sflag:s10] =	ssyncset.done $0x0  }
0x49: {  	[sflag:s10] =	ssyncadd.s32 $0xFFFFFF80  }
0x4a: {  	_ =	swait.ge [sflag:s10], $0x80  }
0x4b: {  	[sflag:s10] =	ssyncset.done $0x0  }
0x4c: {  	[sflag:s10] =	ssyncadd.s32 $0xFFFFFF80  }
0x4d: {  	_ =	swait.ge [sflag:s10], $0x1000  }
0x4e: {  	[sflag:s10] =	ssyncset.done $0x0  }
0x4f: {  	[sflag:s10] =	ssyncadd.s32 $0xFFFFF000  }
0x50: {  	_ =	swait.ge [sflag:s10], $0x1000  }
0x51: {  	[sflag:s10] =	ssyncset.done $0x0  }
0x52: {  	[sflag:s10] =	ssyncadd.s32 $0xFFFFF000  }
0x53: {  	_ =	swait.ge [sflag:s10], $0x80  }
0x54: {  	[sflag:s10] =	ssyncset.done $0x0  }
0x55: {  	[sflag:s10] =	ssyncadd.s32 $0xFFFFFF80  }
0x56: {  	_ =	swait.ge [sflag:s10], $0x80  }
0x57: {  	[sflag:s10] =	ssyncset.done $0x0  }
0x58: {  	[sflag:s10] =	ssyncadd.s32 $0xFFFFFF80  }
0x59: {  	_ =	swait.ge [sflag:s10], $0x1000  }
0x5a: {  	[sflag:s10] =	ssyncset.done $0x0  }
0x5b: {  	[sflag:s10] =	ssyncadd.s32 $0xFFFFF000  }
0x5c: {  	_ =	swait.ge [sflag:s10], $0x1000  }
0x5d: {  	[sflag:s10] =	ssyncset.done $0x0  }
0x5e: {  	[sflag:s10] =	ssyncadd.s32 $0xFFFFF000  }
0x5f: {  	_ =	swait.ge [sflag:s10], $0x80  }
0x60: {  	[sflag:s10] =	ssyncset.done $0x0  }
0x61: {  	[sflag:s10] =	ssyncadd.s32 $0xFFFFFF80  }
0x62: {  	_ =	swait.ge [sflag:s10], $0x80  }
0x63: {  	[sflag:s10] =	ssyncset.done $0x0  }
0x64: {  	[sflag:s10] =	ssyncadd.s32 $0xFFFFFF80  }
0x65: {  	_ =	swait.ge [sflag:s10], $0x1000  }
0x66: {  	[sflag:s10] =	ssyncset.done $0x0  }
0x67: {  	[sflag:s10] =	ssyncadd.s32 $0xFFFFF000  }
0x68: {  	_ =	swait.ge [sflag:s10], $0x1000  }
0x69: {  	[sflag:s10] =	ssyncset.done $0x0  }
0x6a: {  	[sflag:s10] =	ssyncadd.s32 $0xFFFFF000  }
0x6b: {  	_ =	swait.ge [sflag:s10], $0x80  }
0x6c: {  	[sflag:s10] =	ssyncset.done $0x0  }
0x6d: {  	[sflag:s10] =	ssyncadd.s32 $0xFFFFFF80  }
0x6e: {  	_ =	swait.ge [sflag:s10], $0x80  }
0x6f: {  	[sflag:s10] =	ssyncset.done $0x0  }
0x70: {  	s1 =	rddreg [dreg:$0x7];
	[sflag:s10] =	ssyncadd.s32 $0xFFFFFF80  }
0x71: {  	[hbm4b:s1+s2] =	stream.linear.scatter [tilespmem:s7], [sflag:$0x2], $0x4000, $0x38;
	[tilespmem:$0x8800] =	vst v63  }
0x72: {  	_ =	swait.ge [sflag:s3], $0x4000  }
0x73: {  	[sflag:s3] =	ssyncset.done $0x0  }
0x74: {  	s1 =	rddreg [dreg:$0x8];
	[sflag:s3] =	ssyncadd.s32 $0xFFFFC000  }
0x75: {  	[hbm4b:s1+s2] =	stream.linear.scatter [tilespmem:s6], [sflag:$0x2], $0x4000, $0x38;
	[tilespmem:$0x8800] =	vst v63  }
0x76: {  	_ =	swait.ge [sflag:s3], $0x4000  }
0x77: {  	[sflag:s3] =	ssyncset.done $0x0  }
0x78: {  	s1 =	rddreg [dreg:$0x9];
	[sflag:s3] =	ssyncadd.s32 $0xFFFFC000  }
0x79: {  	[hbm4b:s1+s2] =	stream.linear.scatter [tilespmem:s5], [sflag:$0x2], $0x200, $0x38;
	[tilespmem:$0x8800] =	vst v63  }
0x7a: {  	p1 =	sne.s32 s0, $0x1;
	_ =	swait.ge [sflag:s3], $0x200  }
.Ltmp1:
0x7b: {  	[sflag:s3] =	ssyncset.done $0x0;
	(pc) =	sbr.rel @!p1 .LBB2_3-.Ltmp1, $4  }
0x7c: {  	s1 =	rddreg [dreg:$0xa];
	[sflag:s3] =	ssyncadd.s32 $0xFFFFFE00  }
0x7d: {  	[hbm4b:s1+s2] =	stream.linear.scatter [tilespmem:s4], [sflag:$0x2], $0x200, $0x38;
	[tilespmem:$0x8800] =	vst v63  }
0x7e: {  	s0 =	sadd.s32 $0xFFFFFFFF, s0;
	_ =	swait.ge [sflag:s3], $0x200  }
0x7f: {  	p0 =	por $0x1, $0x1;
	s1 =	rddreg [dreg:$0x5];
	[sflag:s3] =	ssyncset.done $0x0  }
.LBB2_2:
0x80: {  	[sflag:s3] =	ssyncadd.s32 $0xFFFFFE00  }
0x81: {  	[tilespmem:s2], [sflag:$0x2] =	stream.linear.gather [hbm4b:s1+s2], $0x200, $0x38;
	[tilespmem:$0x8800] =	vst v63  }
0x82: {  	_ =	swait.ge [sflag:s3], $0x200  }
0x83: {  	[sflag:s3] =	ssyncset.done $0x0  }
0x84: {  	s1 =	rddreg [dreg:$0x6];
	[sflag:s3] =	ssyncadd.s32 $0xFFFFFE00  }
0x85: {  	[tilespmem:s14], [sflag:$0x2] =	stream.linear.gather [hbm4b:s1+s2], $0x200, $0x38;
	[tilespmem:$0x8800] =	vst v63  }
0x86: {  	_ =	swait.ge [sflag:s3], $0x200  }
0x87: {  	[sflag:s3] =	ssyncset.done $0x0  }
0x88: {  	[sflag:s3] =	ssyncadd.s32 $0xFFFFFE00  }
0x89: {  	[tilespmem:s7], [sflag:$0x1] =	stream.indirect.gather [hbm4b:s8+s13], $0x20, s2, s13, $0xb8;
	[tilespmem:$0x8800] =	vst v63  }
0x8a: {  	_ = 	snop  }
0x8b: {  	[tilespmem:s6], [sflag:$0x1] =	stream.indirect.gather [hbm4b:s9+s13], $0x20, s14, s13, $0xb8;
	[tilespmem:$0x8800] =	vst v63  }
0x8c: {  	_ = 	snop  }
0x8d: {  	[tilespmem:s5], [sflag:$0x1] =	stream.indirect.gather [hbm4b:s11+s13], $0x1, s2, s13, $0xb8;
	[tilespmem:$0x8800] =	vst v63  }
0x8e: {  	_ = 	snop  }
0x8f: {  	[tilespmem:s4], [sflag:$0x1] =	stream.indirect.gather [hbm4b:s12+s13], $0x1, s14, s13, $0xb8;
	[tilespmem:$0x8800] =	vst v63  }
0x90: {  	s1 =	rddreg [dreg:$0xb]  }
0x91: {  	[tilespmem:s1], [sflag:$0x1] =	stream.indirect.gather [hbm4b:s8+s13], $0x20, s13, s13, $0xb8;
	[tilespmem:$0x8800] =	vst v63  }
0x92: {  	_ = 	snop  }
0x93: {  	[tilespmem:s18], [sflag:$0x1] =	stream.indirect.gather [hbm4b:s9+s13], $0x20, s15, s13, $0xb8;
	[tilespmem:$0x8800] =	vst v63  }
0x94: {  	_ = 	snop  }
0x95: {  	[tilespmem:s19], [sflag:$0x1] =	stream.indirect.gather [hbm4b:s11+s13], $0x1, s13, s13, $0xb8;
	[tilespmem:$0x8800] =	vst v63  }
0x96: {  	_ = 	snop  }
0x97: {  	[tilespmem:s20], [sflag:$0x1] =	stream.indirect.gather [hbm4b:s12+s13], $0x1, s15, s13, $0xb8;
	[tilespmem:$0x8800] =	vst v63  }
0x98: {  	_ = 	snop  }
0x99: {  	[tilespmem:s22], [sflag:$0x1] =	stream.indirect.gather [hbm4b:s8+s13], $0x20, s16, s13, $0xb8;
	[tilespmem:$0x8800] =	vst v63  }
0x9a: {  	_ = 	snop  }
0x9b: {  	[tilespmem:s23], [sflag:$0x1] =	stream.indirect.gather [hbm4b:s9+s13], $0x20, s17, s13, $0xb8;
	[tilespmem:$0x8800] =	vst v63  }
0x9c: {  	_ = 	snop  }
0x9d: {  	[tilespmem:s24], [sflag:$0x1] =	stream.indirect.gather [hbm4b:s11+s13], $0x1, s16, s13, $0xb8;
	[tilespmem:$0x8800] =	vst v63  }
0x9e: {  	_ = 	snop  }
0x9f: {  	[tilespmem:s25], [sflag:$0x1] =	stream.indirect.gather [hbm4b:s12+s13], $0x1, s17, s13, $0xb8;
	[tilespmem:$0x8800] =	vst v63  }
0xa0: {  	_ = 	snop  }
0xa1: {  	[tilespmem:s28], [sflag:$0x1] =	stream.indirect.gather [hbm4b:s8+s13], $0x20, s21, s13, $0xb8;
	[tilespmem:$0x8800] =	vst v63  }
0xa2: {  	_ = 	snop  }
0xa3: {  	[tilespmem:s29], [sflag:$0x1] =	stream.indirect.gather [hbm4b:s9+s13], $0x20, s26, s13, $0xb8;
	[tilespmem:$0x8800] =	vst v63  }
0xa4: {  	_ = 	snop  }
0xa5: {  	[tilespmem:s30], [sflag:$0x1] =	stream.indirect.gather [hbm4b:s11+s13], $0x1, s21, s13, $0xb8;
	[tilespmem:$0x8800] =	vst v63  }
0xa6: {  	_ = 	snop  }
0xa7: {  	[tilespmem:s31], [sflag:$0x1] =	stream.indirect.gather [hbm4b:s12+s13], $0x1, s26, s13, $0xb8;
	[tilespmem:$0x8800] =	vst v63  }
0xa8: {  	_ =	swait.ge [sflag:s10], $0x1000  }
0xa9: {  	[sflag:s10] =	ssyncset.done $0x0  }
0xaa: {  	[sflag:s10] =	ssyncadd.s32 $0xFFFFF000  }
0xab: {  	_ =	swait.ge [sflag:s10], $0x1000  }
0xac: {  	[sflag:s10] =	ssyncset.done $0x0  }
0xad: {  	[sflag:s10] =	ssyncadd.s32 $0xFFFFF000  }
0xae: {  	_ =	swait.ge [sflag:s10], $0x80  }
0xaf: {  	[sflag:s10] =	ssyncset.done $0x0  }
0xb0: {  	[sflag:s10] =	ssyncadd.s32 $0xFFFFFF80  }
0xb1: {  	_ =	swait.ge [sflag:s10], $0x80  }
0xb2: {  	[sflag:s10] =	ssyncset.done $0x0  }
0xb3: {  	[sflag:s10] =	ssyncadd.s32 $0xFFFFFF80  }
0xb4: {  	_ =	swait.ge [sflag:s10], $0x1000  }
0xb5: {  	[sflag:s10] =	ssyncset.done $0x0  }
0xb6: {  	[sflag:s10] =	ssyncadd.s32 $0xFFFFF000  }
0xb7: {  	_ =	swait.ge [sflag:s10], $0x1000  }
0xb8: {  	[sflag:s10] =	ssyncset.done $0x0  }
0xb9: {  	[sflag:s10] =	ssyncadd.s32 $0xFFFFF000  }
0xba: {  	_ =	swait.ge [sflag:s10], $0x80  }
0xbb: {  	[sflag:s10] =	ssyncset.done $0x0  }
0xbc: {  	[sflag:s10] =	ssyncadd.s32 $0xFFFFFF80  }
0xbd: {  	_ =	swait.ge [sflag:s10], $0x80  }
0xbe: {  	[sflag:s10] =	ssyncset.done $0x0  }
0xbf: {  	[sflag:s10] =	ssyncadd.s32 $0xFFFFFF80  }
0xc0: {  	_ =	swait.ge [sflag:s10], $0x1000  }
0xc1: {  	[sflag:s10] =	ssyncset.done $0x0  }
0xc2: {  	[sflag:s10] =	ssyncadd.s32 $0xFFFFF000  }
0xc3: {  	_ =	swait.ge [sflag:s10], $0x1000  }
0xc4: {  	[sflag:s10] =	ssyncset.done $0x0  }
0xc5: {  	[sflag:s10] =	ssyncadd.s32 $0xFFFFF000  }
0xc6: {  	_ =	swait.ge [sflag:s10], $0x80  }
0xc7: {  	[sflag:s10] =	ssyncset.done $0x0  }
0xc8: {  	[sflag:s10] =	ssyncadd.s32 $0xFFFFFF80  }
0xc9: {  	_ =	swait.ge [sflag:s10], $0x80  }
0xca: {  	[sflag:s10] =	ssyncset.done $0x0  }
0xcb: {  	[sflag:s10] =	ssyncadd.s32 $0xFFFFFF80  }
0xcc: {  	_ =	swait.ge [sflag:s10], $0x1000  }
0xcd: {  	[sflag:s10] =	ssyncset.done $0x0  }
0xce: {  	[sflag:s10] =	ssyncadd.s32 $0xFFFFF000  }
0xcf: {  	_ =	swait.ge [sflag:s10], $0x1000  }
0xd0: {  	[sflag:s10] =	ssyncset.done $0x0  }
0xd1: {  	[sflag:s10] =	ssyncadd.s32 $0xFFFFF000  }
0xd2: {  	_ =	swait.ge [sflag:s10], $0x80  }
0xd3: {  	[sflag:s10] =	ssyncset.done $0x0  }
0xd4: {  	[sflag:s10] =	ssyncadd.s32 $0xFFFFFF80  }
0xd5: {  	_ =	swait.ge [sflag:s10], $0x80  }
0xd6: {  	[sflag:s10] =	ssyncset.done $0x0  }
0xd7: {  	s1 =	rddreg [dreg:$0x7];
	[sflag:s10] =	ssyncadd.s32 $0xFFFFFF80  }
0xd8: {  	[hbm4b:s1+s2] =	stream.linear.scatter [tilespmem:s7], [sflag:$0x2], $0x4000, $0x38;
	[tilespmem:$0x8800] =	vst v63  }
0xd9: {  	_ =	swait.ge [sflag:s3], $0x4000  }
0xda: {  	[sflag:s3] =	ssyncset.done $0x0  }
0xdb: {  	s1 =	rddreg [dreg:$0x8];
	[sflag:s3] =	ssyncadd.s32 $0xFFFFC000  }
0xdc: {  	[hbm4b:s1+s2] =	stream.linear.scatter [tilespmem:s6], [sflag:$0x2], $0x4000, $0x38;
	[tilespmem:$0x8800] =	vst v63  }
0xdd: {  	_ =	swait.ge [sflag:s3], $0x4000  }
0xde: {  	[sflag:s3] =	ssyncset.done $0x0  }
0xdf: {  	s1 =	rddreg [dreg:$0x9];
	[sflag:s3] =	ssyncadd.s32 $0xFFFFC000  }
0xe0: {  	[hbm4b:s1+s2] =	stream.linear.scatter [tilespmem:s5], [sflag:$0x2], $0x200, $0x38;
	[tilespmem:$0x8800] =	vst v63  }
0xe1: {  	p1 =	sne.s32 s0, $0x1;
	_ =	swait.ge [sflag:s3], $0x200  }
.Ltmp2:
0xe2: {  	[sflag:s3] =	ssyncset.done $0x0;
	(pc) =	sbr.rel @p1 .LBB2_2-.Ltmp2, $4  }
0xe3: {  	s1 =	rddreg [dreg:$0xa];
	[sflag:s3] =	ssyncadd.s32 $0xFFFFFE00  }
0xe4: {  	[hbm4b:s1+s2] =	stream.linear.scatter [tilespmem:s4], [sflag:$0x2], $0x200, $0x38;
	[tilespmem:$0x8800] =	vst v63  }
0xe5: {  	_ =	swait.ge [sflag:s3], $0x200  }
0xe6: {  	s0 =	sadd.s32 $0xFFFFFFFF, s0;
	s1 =	rddreg [dreg:$0x5];
	[sflag:s3] =	ssyncset.done $0x0  }
.LBB2_3:
0xe7: {  	[sflag:s3] =	ssyncadd.s32 @p0 $0xFFFFFE00  }
0xe8: {  	[tilespmem:s2], [sflag:$0x2] =	stream.linear.gather [hbm4b:s1+s2], $0x200, $0x38;
	[tilespmem:$0x8800] =	vst v63  }
0xe9: {  	_ =	swait.ge [sflag:s3], $0x200  }
0xea: {  	[sflag:s3] =	ssyncset.done $0x0  }
0xeb: {  	s0 =	rddreg [dreg:$0x6];
	[sflag:s3] =	ssyncadd.s32 $0xFFFFFE00  }
0xec: {  	[tilespmem:s14], [sflag:$0x2] =	stream.linear.gather [hbm4b:s0+s2], $0x200, $0x38;
	[tilespmem:$0x8800] =	vst v63  }
0xed: {  	_ =	swait.ge [sflag:s3], $0x200  }
0xee: {  	[sflag:s3] =	ssyncset.done $0x0  }
0xef: {  	[sflag:s3] =	ssyncadd.s32 $0xFFFFFE00  }
0xf0: {  	[tilespmem:s7], [sflag:$0x1] =	stream.indirect.gather [hbm4b:s8+s13], $0x20, s2, s13, $0xb8;
	[tilespmem:$0x8800] =	vst v63  }
0xf1: {  	_ = 	snop  }
0xf2: {  	[tilespmem:s6], [sflag:$0x1] =	stream.indirect.gather [hbm4b:s9+s13], $0x20, s14, s13, $0xb8;
	[tilespmem:$0x8800] =	vst v63  }
0xf3: {  	_ = 	snop  }
0xf4: {  	[tilespmem:s5], [sflag:$0x1] =	stream.indirect.gather [hbm4b:s11+s13], $0x1, s2, s13, $0xb8;
	[tilespmem:$0x8800] =	vst v63  }
0xf5: {  	_ = 	snop  }
0xf6: {  	[tilespmem:s4], [sflag:$0x1] =	stream.indirect.gather [hbm4b:s12+s13], $0x1, s14, s13, $0xb8;
	[tilespmem:$0x8800] =	vst v63  }
0xf7: {  	s1 =	rddreg [dreg:$0xb]  }
0xf8: {  	[tilespmem:s1], [sflag:$0x1] =	stream.indirect.gather [hbm4b:s8+s13], $0x20, s13, s13, $0xb8;
	[tilespmem:$0x8800] =	vst v63  }
0xf9: {  	_ = 	snop  }
0xfa: {  	[tilespmem:s18], [sflag:$0x1] =	stream.indirect.gather [hbm4b:s9+s13], $0x20, s15, s13, $0xb8;
	[tilespmem:$0x8800] =	vst v63  }
0xfb: {  	_ = 	snop  }
0xfc: {  	[tilespmem:s19], [sflag:$0x1] =	stream.indirect.gather [hbm4b:s11+s13], $0x1, s13, s13, $0xb8;
	[tilespmem:$0x8800] =	vst v63  }
0xfd: {  	_ = 	snop  }
0xfe: {  	[tilespmem:s20], [sflag:$0x1] =	stream.indirect.gather [hbm4b:s12+s13], $0x1, s15, s13, $0xb8;
	[tilespmem:$0x8800] =	vst v63  }
0xff: {  	_ = 	snop  }
0x100: {  	[tilespmem:s22], [sflag:$0x1] =	stream.indirect.gather [hbm4b:s8+s13], $0x20, s16, s13, $0xb8;
	[tilespmem:$0x8800] =	vst v63  }
0x101: {  	_ = 	snop  }
0x102: {  	[tilespmem:s23], [sflag:$0x1] =	stream.indirect.gather [hbm4b:s9+s13], $0x20, s17, s13, $0xb8;
	[tilespmem:$0x8800] =	vst v63  }
0x103: {  	_ = 	snop  }
0x104: {  	[tilespmem:s24], [sflag:$0x1] =	stream.indirect.gather [hbm4b:s11+s13], $0x1, s16, s13, $0xb8;
	[tilespmem:$0x8800] =	vst v63  }
0x105: {  	_ = 	snop  }
0x106: {  	[tilespmem:s25], [sflag:$0x1] =	stream.indirect.gather [hbm4b:s12+s13], $0x1, s17, s13, $0xb8;
	[tilespmem:$0x8800] =	vst v63  }
0x107: {  	_ = 	snop  }
0x108: {  	[tilespmem:s28], [sflag:$0x1] =	stream.indirect.gather [hbm4b:s8+s13], $0x20, s21, s13, $0xb8;
	[tilespmem:$0x8800] =	vst v63  }
0x109: {  	_ = 	snop  }
0x10a: {  	[tilespmem:s29], [sflag:$0x1] =	stream.indirect.gather [hbm4b:s9+s13], $0x20, s26, s13, $0xb8;
	[tilespmem:$0x8800] =	vst v63  }
0x10b: {  	_ = 	snop  }
0x10c: {  	[tilespmem:s30], [sflag:$0x1] =	stream.indirect.gather [hbm4b:s11+s13], $0x1, s21, s13, $0xb8;
	[tilespmem:$0x8800] =	vst v63  }
0x10d: {  	_ = 	snop  }
0x10e: {  	[tilespmem:s31], [sflag:$0x1] =	stream.indirect.gather [hbm4b:s12+s13], $0x1, s26, s13, $0xb8;
	[tilespmem:$0x8800] =	vst v63  }
0x10f: {  	_ =	swait.ge [sflag:s10], $0x1000  }
0x110: {  	[sflag:s10] =	ssyncset.done $0x0  }
0x111: {  	[sflag:s10] =	ssyncadd.s32 $0xFFFFF000  }
0x112: {  	_ =	swait.ge [sflag:s10], $0x1000  }
0x113: {  	[sflag:s10] =	ssyncset.done $0x0  }
0x114: {  	[sflag:s10] =	ssyncadd.s32 $0xFFFFF000  }
0x115: {  	_ =	swait.ge [sflag:s10], $0x80  }
0x116: {  	[sflag:s10] =	ssyncset.done $0x0  }
0x117: {  	[sflag:s10] =	ssyncadd.s32 $0xFFFFFF80  }
0x118: {  	_ =	swait.ge [sflag:s10], $0x80  }
0x119: {  	[sflag:s10] =	ssyncset.done $0x0  }
0x11a: {  	[sflag:s10] =	ssyncadd.s32 $0xFFFFFF80  }
0x11b: {  	_ =	swait.ge [sflag:s10], $0x1000  }
0x11c: {  	[sflag:s10] =	ssyncset.done $0x0  }
0x11d: {  	[sflag:s10] =	ssyncadd.s32 $0xFFFFF000  }
0x11e: {  	_ =	swait.ge [sflag:s10], $0x1000  }
0x11f: {  	[sflag:s10] =	ssyncset.done $0x0  }
0x120: {  	[sflag:s10] =	ssyncadd.s32 $0xFFFFF000  }
0x121: {  	_ =	swait.ge [sflag:s10], $0x80  }
0x122: {  	[sflag:s10] =	ssyncset.done $0x0  }
0x123: {  	[sflag:s10] =	ssyncadd.s32 $0xFFFFFF80  }
0x124: {  	_ =	swait.ge [sflag:s10], $0x80  }
0x125: {  	[sflag:s10] =	ssyncset.done $0x0  }
0x126: {  	[sflag:s10] =	ssyncadd.s32 $0xFFFFFF80  }
0x127: {  	_ =	swait.ge [sflag:s10], $0x1000  }
0x128: {  	[sflag:s10] =	ssyncset.done $0x0  }
0x129: {  	[sflag:s10] =	ssyncadd.s32 $0xFFFFF000  }
0x12a: {  	_ =	swait.ge [sflag:s10], $0x1000  }
0x12b: {  	[sflag:s10] =	ssyncset.done $0x0  }
0x12c: {  	[sflag:s10] =	ssyncadd.s32 $0xFFFFF000  }
0x12d: {  	_ =	swait.ge [sflag:s10], $0x80  }
0x12e: {  	[sflag:s10] =	ssyncset.done $0x0  }
0x12f: {  	[sflag:s10] =	ssyncadd.s32 $0xFFFFFF80  }
0x130: {  	_ =	swait.ge [sflag:s10], $0x80  }
0x131: {  	[sflag:s10] =	ssyncset.done $0x0  }
0x132: {  	[sflag:s10] =	ssyncadd.s32 $0xFFFFFF80  }
0x133: {  	_ =	swait.ge [sflag:s10], $0x1000  }
0x134: {  	[sflag:s10] =	ssyncset.done $0x0  }
0x135: {  	[sflag:s10] =	ssyncadd.s32 $0xFFFFF000  }
0x136: {  	_ =	swait.ge [sflag:s10], $0x1000  }
0x137: {  	[sflag:s10] =	ssyncset.done $0x0  }
0x138: {  	[sflag:s10] =	ssyncadd.s32 $0xFFFFF000  }
0x139: {  	_ =	swait.ge [sflag:s10], $0x80  }
0x13a: {  	[sflag:s10] =	ssyncset.done $0x0  }
0x13b: {  	[sflag:s10] =	ssyncadd.s32 $0xFFFFFF80  }
0x13c: {  	_ =	swait.ge [sflag:s10], $0x80  }
0x13d: {  	[sflag:s10] =	ssyncset.done $0x0  }
0x13e: {  	s26 =	rddreg [dreg:$0x7];
	[sflag:s10] =	ssyncadd.s32 $0xFFFFFF80  }
0x13f: {  	[hbm4b:s26+s2] =	stream.linear.scatter [tilespmem:s7], [sflag:$0x2], $0x4000, $0x38;
	[tilespmem:$0x8800] =	vst v63  }
0x140: {  	_ =	swait.ge [sflag:s3], $0x4000  }
0x141: {  	[sflag:s3] =	ssyncset.done $0x0  }
0x142: {  	s28 =	rddreg [dreg:$0x8];
	[sflag:s3] =	ssyncadd.s32 $0xFFFFC000  }
0x143: {  	[hbm4b:s28+s2] =	stream.linear.scatter [tilespmem:s6], [sflag:$0x2], $0x4000, $0x38;
	[tilespmem:$0x8800] =	vst v63  }
0x144: {  	_ =	swait.ge [sflag:s3], $0x4000  }
0x145: {  	[sflag:s3] =	ssyncset.done $0x0  }
0x146: {  	s29 =	rddreg [dreg:$0x9];
	[sflag:s3] =	ssyncadd.s32 $0xFFFFC000  }
0x147: {  	[hbm4b:s29+s2] =	stream.linear.scatter [tilespmem:s5], [sflag:$0x2], $0x200, $0x38;
	[tilespmem:$0x8800] =	vst v63  }
0x148: {  	_ =	swait.ge [sflag:s3], $0x200  }
0x149: {  	[sflag:s3] =	ssyncset.done $0x0  }
0x14a: {  	s30 =	rddreg [dreg:$0xa];
	[sflag:s3] =	ssyncadd.s32 $0xFFFFFE00  }
0x14b: {  	[hbm4b:s30+s2] =	stream.linear.scatter [tilespmem:s4], [sflag:$0x2], $0x200, $0x38;
	[tilespmem:$0x8800] =	vst v63  }
0x14c: {  	_ =	swait.ge [sflag:s3], $0x200  }
0x14d: {  	[sflag:s3] =	ssyncset.done $0x0  }
0x14e: {  	[sflag:s3] =	ssyncadd.s32 $0xFFFFFE00  }
0x14f: {  	_ =	sfence.sel $0x180000  }
0x150: {  	[bflag:$0x0] =	sbarrier.arrive $0xFFFF  }
0x151: {  	_ =	strace $0x90000047  }
0x152: {  	s31 =	stileid.u32;
	[bflag:$0x2] =	sbarrier.arrive $0xFFFF  }
0x153: {  	p0 =	sne.s32 s31, $0x0;
	s0 =	rddreg [dreg:$0x4]  }
0x154: {  	s0 =	sadd.s32 @!p0 $0x100000, s0  }
0x155: {  	[sflag:s0] =	ssyncadd.tile.s32 @!p0 $0x1;
	_ =	shalt  }
.Lfunc_end2:
_tile_overlayer_lowered:
.L_overlay_start_2:
0x156: {  	(tag) =	ssettag $0x2  }
0x157: {  	s0 =	rddreg [dreg:$0x0];
	s2 =	stileid.u32  }
0x158: {  	s1 =	rddreg [dreg:$0x1];
	p0 =	sne.s32 s2, $0x0  }
0x159: {  	s3 =	rddreg [dreg:$0x2];
	[bflag:$0x3] =	sbarrier.arrive $0xFFFF;
	s2 =	simm.s32 @!p0 $0x1C02  }
0x15a: {  	[timem:s3], [sflag:s2] =	dma.local @!p0 [hbm:s0], s1  }
0x15b: {  	s0 =	simm.s32 @!p0 $0x2  }
0x15c: {  	_ =	swait.ge @!p0 [sflag:s0], s1  }
0x15d: {  	s1 =	ssub.s32 @!p0 $0x0, s1;
	[sflag:s0] =	ssyncset.done @!p0 $0x0  }
0x15e: {  	[sflag:s0] =	ssyncadd.s32 @!p0 s1  }
0x15f: {  	[bflag:$0x3] =	sbarrier.arrive $0xFFFF  }
0x160: {  	_ =	shalt  }

</sc_bundles>
